<compile_context>
chip_gen: v7x
topology: tpu7x:2x2x1
jax: 0.10.2.dev20260603
libtpu: 0.0.44.dev20260713+nightly
codegen_flags: <defaults>
</compile_context>

<pallas_src>
import dataclasses
import functools

import jax
import jax.numpy as jnp
from jax import lax
from jax.experimental import pallas as pl
from jax.experimental.pallas import tpu as pltpu
from jax.experimental.pallas import tpu_sc as plsc

N = 10000
D = 128
E = 320000
CHUNK = 128
NCORE = 2
NSUB = 16
EDGES_PER_CORE = E // NCORE
CHUNKS_PER_CORE = EDGES_PER_CORE // CHUNK
CHUNKS_BASE = CHUNKS_PER_CORE // NSUB
CHUNKS_REM = CHUNKS_PER_CORE - CHUNKS_BASE * NSUB
NPAD = 10240
ROWS_PER_SUB = NPAD // NSUB
ZROWS = 128
CH_TOTAL = NCORE * CHUNKS_PER_CORE
CH_PAD = 2560
PHASE = 40
IDXROWS = PHASE + 8

def _mesh():
    return plsc.VectorSubcoreMesh(core_axis_name="c", subcore_axis_name="s")


def _my_chunks(sid):
    start = sid * CHUNKS_BASE + jnp.minimum(sid, CHUNKS_REM)
    count = CHUNKS_BASE + jnp.where(sid < CHUNKS_REM, 1, 0)
    return start, count


DEG_BLOCKS = NPAD // CHUNK
DEG_BLK_PER_SUB = DEG_BLOCKS // NSUB
DEG_IDXROWS = 80 + 8


@jax.jit
def _sc_degree(ei2d):
    cp = pltpu.CompilerParams()
    if "needs_layout_passes" in pltpu.CompilerParams.__dataclass_fields__:
        cp = dataclasses.replace(cp, needs_layout_passes=False)

    @functools.partial(
        pl.kernel,
        out_type=jax.ShapeDtypeStruct((NCORE, NPAD, CHUNK), jnp.float32),
        mesh=_mesh(),
        compiler_params=cp,
        scratch_types=[
            pltpu.VMEM((DEG_IDXROWS, CHUNK), jnp.int32),
            pltpu.VMEM((NPAD,), jnp.float32),
            pltpu.VMEM((NSUB, CHUNK), jnp.float32),
            pltpu.VMEM((CHUNK, CHUNK), jnp.float32),
            pltpu.VMEM_SHARED((NSUB, NPAD), jnp.float32),
            pltpu.SemaphoreType.DMA,
        ],
    )
    def k(ei_hbm, out_hbm, dv, hist, red, tbuf, stag, semi):
        cid = lax.axis_index("c")
        sid = lax.axis_index("s")
        start, count = _my_chunks(sid)
        cbase = cid * CHUNKS_PER_CORE + start
        abase = (cbase // 8) * 8
        ofs = cbase - abase

        pltpu.async_copy(ei_hbm.at[1, pl.ds(abase, DEG_IDXROWS)], dv, semi)

        @pl.loop(0, NPAD // 16)
        def _(i):
            hist[pl.ds(i * 16, 16)] = jnp.zeros((16,), jnp.float32)

        pltpu.make_async_copy(ei_hbm.at[1, pl.ds(abase, DEG_IDXROWS)], dv, semi).wait()

        ones = jnp.full((16,), 1.0, jnp.float32)

        @pl.loop(0, count)
        def _(j):
            for sl in range(CHUNK // 16):
                idxv = dv[ofs + j, pl.ds(sl * 16, 16)]
                plsc.addupdate_scatter(hist, [idxv], ones)

        pltpu.sync_copy(hist, stag.at[sid])
        plsc.subcore_barrier()

        cols0 = jnp.zeros((16,), jnp.int32)
        lane = jnp.arange(16, dtype=jnp.int32)

        @pl.loop(0, DEG_BLK_PER_SUB)
        def _(b):
            blk = sid * DEG_BLK_PER_SUB + b
            pltpu.sync_copy(stag.at[:, pl.ds(blk * CHUNK, CHUNK)], red)
            for sl in range(CHUNK // 16):
                v = red[0, pl.ds(sl * 16, 16)]
                for r in range(1, NSUB):
                    v = v + red[r, pl.ds(sl * 16, 16)]
                plsc.store_scatter(tbuf, [sl * 16 + lane, cols0], v)
            pltpu.sync_copy(tbuf, out_hbm.at[cid, pl.ds(blk * CHUNK, CHUNK)])

    return k(ei2d)


@jax.jit
def _sc_aggregate(h, ei2d):

    @functools.partial(
        pl.kernel,
        out_type=jax.ShapeDtypeStruct((NCORE, NPAD, D), jnp.float32),
        mesh=_mesh(),
        scratch_types=[
            pltpu.VMEM((IDXROWS, CHUNK), jnp.int32),
            pltpu.VMEM((IDXROWS, CHUNK), jnp.int32),
            pltpu.VMEM((CHUNK, D), jnp.float32),
            pltpu.VMEM((CHUNK, D), jnp.float32),
            pltpu.VMEM_SHARED((NPAD, D), jnp.float32),
            pltpu.SemaphoreType.DMA,
            pltpu.SemaphoreType.DMA,
            pltpu.SemaphoreType.DMA,
        ],
    )
    def k(h_hbm, ei_hbm, out_hbm, sv, dv, buf0, buf1, acc,
          semi, sem0, sem1):
        cid = lax.axis_index("c")
        sid = lax.axis_index("s")

        start, count = _my_chunks(sid)
        cbase = cid * CHUNKS_PER_CORE + start
        abase = (cbase // 8) * 8
        ofs = cbase - abase

        def g_start(j, buf, sem):
            pltpu.async_copy(h_hbm.at[sv.at[ofs + j]], buf, sem)

        def g_wait(j, buf, sem):
            pltpu.make_async_copy(h_hbm.at[sv.at[ofs + j]], buf, sem).wait()

        def s_do(j, buf):
            pltpu.sync_copy(buf, acc.at[dv.at[ofs + j]], add=True)

        pltpu.async_copy(ei_hbm.at[0, pl.ds(abase, IDXROWS)], sv, semi)
        pltpu.async_copy(ei_hbm.at[1, pl.ds(abase, IDXROWS)], dv, semi)

        @pl.loop(0, ZROWS)
        def _(r):
            @pl.loop(0, D // 16)
            def _(cc):
                buf1[r, pl.ds(cc * 16, 16)] = jnp.zeros((16,), jnp.float32)

        pltpu.make_async_copy(ei_hbm.at[0, pl.ds(abase, IDXROWS)], sv, semi).wait()
        pltpu.make_async_copy(ei_hbm.at[1, pl.ds(abase, IDXROWS)], dv, semi).wait()
        g_start(0, buf0, sem0)

        @pl.loop(0, ROWS_PER_SUB // ZROWS)
        def _(j):
            pltpu.sync_copy(buf1, acc.at[pl.ds(sid * ROWS_PER_SUB + j * ZROWS, ZROWS)])

        plsc.subcore_barrier()

        for p in range(2):
            pbase = p * PHASE
            pcount = jnp.minimum(count - pbase, PHASE)
            if p > 0:
                pltpu.async_copy(ei_hbm.at[0, pl.ds(abase + pbase, IDXROWS)], sv, semi)
                pltpu.async_copy(ei_hbm.at[1, pl.ds(abase + pbase, IDXROWS)], dv, semi)
                pltpu.make_async_copy(ei_hbm.at[0, pl.ds(abase + pbase, IDXROWS)], sv, semi).wait()
                pltpu.make_async_copy(ei_hbm.at[1, pl.ds(abase + pbase, IDXROWS)], dv, semi).wait()

            npairs = pcount // 2
            tail = pcount - 2 * npairs

            if p > 0:
                g_start(0, buf0, sem0)

            @pl.loop(0, npairs)
            def _(t):
                c0 = 2 * t
                c1 = c0 + 1
                g_start(c1, buf1, sem1)
                g_wait(c0, buf0, sem0)
                s_do(c0, buf0)

                @pl.when(c1 + 1 < pcount)
                def _():
                    g_start(c1 + 1, buf0, sem0)

                g_wait(c1, buf1, sem1)
                s_do(c1, buf1)

            @pl.when(tail == 1)
            def _():
                c = 2 * npairs
                g_wait(c, buf0, sem0)
                s_do(c, buf0)

        plsc.subcore_barrier()

        @pl.loop(0, ROWS_PER_SUB // ZROWS)
        def _(j):
            r0 = sid * ROWS_PER_SUB + j * ZROWS
            pltpu.sync_copy(acc.at[pl.ds(r0, ZROWS)], out_hbm.at[cid, pl.ds(r0, ZROWS)])

    return k(h, ei2d)


def _tc_prep(x, W0):

    def body(x_ref, w_ref, h_ref):
        h_ref[...] = jnp.dot(x_ref[...], w_ref[...], preferred_element_type=jnp.float32)

    return pl.pallas_call(
        body,
        out_shape=jax.ShapeDtypeStruct((N, D), jnp.float32),
    )(x, W0)


def _tc_scale(hraw, degp):

    def body(h_ref, degp_ref, dinv_ref, hs_ref):
        deg = degp_ref[0, :N, 0:1] + degp_ref[1, :N, 0:1] + 1.0
        dinv = lax.rsqrt(deg)
        dinv_ref[...] = dinv
        hs_ref[...] = h_ref[...] * dinv

    return pl.pallas_call(
        body,
        out_shape=(
            jax.ShapeDtypeStruct((N, 1), jnp.float32),
            jax.ShapeDtypeStruct((N, D), jnp.float32),
        ),
    )(hraw, degp)


def _tc_combine(p, hp, dinv, b, g, be, resid, Wn, relu):
    have_res = resid is not None
    have_w = Wn is not None

    def body(*refs):
        it = iter(refs)
        p_ref = next(it)
        hp_ref = next(it)
        dinv_ref = next(it)
        b_ref = next(it)
        g_ref = next(it)
        be_ref = next(it)
        res_ref = next(it) if have_res else None
        w_ref = next(it) if have_w else None
        y_ref = next(it)
        hn_ref = next(it) if have_w else None

        dinv = dinv_ref[...]
        s = (p_ref[0, :N] + p_ref[1, :N] + hp_ref[...]) * dinv + b_ref[...]
        mu = jnp.mean(s, axis=0, keepdims=True)
        c = s - mu
        var = jnp.mean(c * c, axis=0, keepdims=True)
        y = g_ref[...] * c * lax.rsqrt(var + 1e-5) + be_ref[...]
        if relu:
            y = jnp.maximum(y, 0.0)
        if have_res:
            y = y + res_ref[...]
        y_ref[...] = y
        if have_w:
            hn = jnp.dot(y, w_ref[...], preferred_element_type=jnp.float32)
            hn_ref[...] = hn * dinv

    out_shape = [jax.ShapeDtypeStruct((N, D), jnp.float32)]
    if have_w:
        out_shape.append(jax.ShapeDtypeStruct((N, D), jnp.float32))
    args = [p, hp, dinv, b.reshape(1, D), g.reshape(1, D), be.reshape(1, D)]
    if have_res:
        args.append(resid)
    if have_w:
        args.append(Wn)
    res = pl.pallas_call(body, out_shape=tuple(out_shape))(*args)
    return res if have_w else (res[0], None)


def kernel(x, edge_index, W0, b0, g0, be0, W1, b1, g1, be1, W2, b2, g2, be2):
    ei = edge_index.astype(jnp.int32)
    pad = CH_PAD * CHUNK - E
    ei2d = jnp.pad(ei, ((0, 0), (0, pad))).reshape(2, CH_PAD, CHUNK)

    h0raw = _tc_prep(x, W0)
    degp = _sc_degree(ei2d)
    dinv, h0 = _tc_scale(h0raw, degp)

    p = _sc_aggregate(h0, ei2d)
    y0, h1 = _tc_combine(p, h0, dinv, b0, g0, be0, None, W1, relu=True)

    p = _sc_aggregate(h1, ei2d)
    y1, h2 = _tc_combine(p, h1, dinv, b1, g1, be1, y0, W2, relu=True)

    p = _sc_aggregate(h2, ei2d)
    y2, _ = _tc_combine(p, h2, dinv, b2, g2, be2, y1, None, relu=False)
    return y2

# --- scband reference (transcript-rebuilt; emitter-appended) ---
"""Pipeline reference for scband-graph-encoder-39084202393964 (READ-ONLY COPY).

The authoritative reference and input builder live on the scoring server;
editing this copy changes nothing except your own understanding.
"""

import jax, jax.numpy as jnp
import numpy as np

N_NODES = 10000
D = 128
N_EDGES = 320000


def _gcn_conv(x, src, dst, W, b, n):
    # PyG GCNConv: linear transform, then normalized scatter-add aggregation
    h = x @ W
    deg = jnp.zeros((n,), h.dtype).at[dst].add(1.0)
    dinv = jnp.where(deg > 0, deg ** -0.5, 0.0)
    norm = dinv[src] * dinv[dst]
    out = jnp.zeros_like(h).at[dst].add(h[src] * norm[:, None])
    return out + b


def _bn(x, g, be):
    # BatchNorm1d training-mode math (batch statistics), eps=1e-5
    mu = jnp.mean(x, axis=0)
    var = jnp.var(x, axis=0)
    return g * (x - mu) / jnp.sqrt(var + 1e-5) + be


def setup_inputs(seed: int = 0) -> dict:
    key = jax.random.key(seed)
    ks = jax.random.split(key, 8)
    x = jax.random.normal(ks[0], (N_NODES, D), dtype=jnp.float32)
    edge_index = jax.random.randint(ks[1], (2, N_EDGES), 0, N_NODES, dtype=jnp.int64)
    inp = {"x": x, "edge_index": edge_index}
    for i in range(3):
        kw = jax.random.fold_in(ks[2], i)
        inp[f"W{i}"] = jax.random.normal(kw, (D, D), dtype=jnp.float32) * (1.0 / np.sqrt(D))
        inp[f"b{i}"] = jnp.zeros((D,), dtype=jnp.float32)
        inp[f"g{i}"] = jnp.ones((D,), dtype=jnp.float32)
        inp[f"be{i}"] = jnp.zeros((D,), dtype=jnp.float32)
    return inp


def reference(x, edge_index, W0, b0, g0, be0, W1, b1, g1, be1, W2, b2, g2, be2):
    n = x.shape[0]
    loop = jnp.arange(n, dtype=edge_index.dtype)
    src = jnp.concatenate([edge_index[0], loop])
    dst = jnp.concatenate([edge_index[1], loop])
    params = [(W0, b0, g0, be0), (W1, b1, g1, be1), (W2, b2, g2, be2)]
    residual = None
    out_dim = 128
    for i, (W, b, g, be) in enumerate(params):
        if i > 0 and x.shape[-1] == out_dim:
            residual = x
        x = _gcn_conv(x, src, dst, W, b, n)
        x = _bn(x, g, be)
        if i < len(params) - 1:
            x = jax.nn.relu(x)
        if residual is not None and x.shape == residual.shape:
            x = x + residual
        # dropout: eval mode -> identity
    return x

if __name__ == "__main__":
    import jax
    _d = setup_inputs()
    print(jax.jit(kernel)(*tuple(_d.values())))

</pallas_src>

<mosaic_0001>
#map = affine_map<(d0, d1) -> (0, 0, 0)>
module attributes {stable_mosaic.version = 14 : i64} {
  func.func @k(%arg0: i32, %arg1: i32, %arg2: memref<2x2560x128xi32, #tpu.memory_space<hbm>>, %arg3: memref<2x10240x128xf32, #tpu.memory_space<hbm>>, %arg4: memref<88x128xi32, #tpu.memory_space<vmem>>, %arg5: memref<10240xf32, #tpu.memory_space<vmem>>, %arg6: memref<16x128xf32, #tpu.memory_space<vmem>>, %arg7: memref<128x128xf32, #tpu.memory_space<vmem>>, %arg8: memref<16x10240xf32, #tpu.memory_space<vmem_shared>>, %arg9: memref<!tpu.dma_semaphore, #tpu.memory_space<semaphore_mem>>) attributes {dimension_semantics = [#tpu.dimension_semantics<core_parallel>, #tpu.dimension_semantics<subcore_parallel>], iteration_bounds = array<i64: 2, 16>, scalar_prefetch = 0 : i64, scratch_operands = 6 : i64, tpu.core_type = #tpu.core_type<sc_vector_subcore>, window_params = [{transform_indices = #map}, {transform_indices = #map}]} {
    %mul3A = arith.constant 78 : i32
    %mul3A_0 = arith.muli %arg1, %mul3A : i32
    %min3A = arith.constant 2 : i32
    %min3A_1 = arith.minsi %arg1, %min3A : i32
    %add3A = arith.addi %mul3A_0, %min3A_1 : i32
    %lt3A = arith.constant 2 : i32
    %lt3A_2 = arith.cmpi slt, %arg1, %lt3A : i32
    %jit3A = arith.constant 1 : i32
    %jit3A_3 = arith.constant 0 : i32
    %select_n3A = arith.select %lt3A_2, %jit3A, %jit3A_3 : i32
    %add3A_4 = arith.constant 78 : i32
    %add3A_5 = arith.addi %add3A_4, %select_n3A : i32
    %mul3A_6 = arith.constant 1250 : i32
    %mul3A_7 = arith.muli %arg0, %mul3A_6 : i32
    %add3A_8 = arith.addi %mul3A_7, %add3A : i32
    %jit3A_9 = arith.constant 8 : i32
    %div3A = arith.divsi %add3A_8, %jit3A_9 : i32
    %sign3A = arith.constant 0 : i32
    %sign3A_10 = arith.cmpi sgt, %add3A_8, %sign3A : i32
    %sign3A_11 = arith.extui %sign3A_10 : i1 to i32
    %sign3A_12 = arith.constant 0 : i32
    %sign3A_13 = arith.cmpi slt, %add3A_8, %sign3A_12 : i32
    %sign3A_14 = arith.extui %sign3A_13 : i1 to i32
    %sign3A_15 = arith.subi %sign3A_11, %sign3A_14 : i32
    %sign3A_16 = arith.constant 0 : i32
    %sign3A_17 = arith.cmpi sgt, %jit3A_9, %sign3A_16 : i32
    %sign3A_18 = arith.extui %sign3A_17 : i1 to i32
    %sign3A_19 = arith.constant 0 : i32
    %sign3A_20 = arith.cmpi slt, %jit3A_9, %sign3A_19 : i32
    %sign3A_21 = arith.extui %sign3A_20 : i1 to i32
    %sign3A_22 = arith.subi %sign3A_18, %sign3A_21 : i32
    %ne3A = arith.cmpi ne, %sign3A_15, %sign3A_22 : i32
    %rem3A = arith.remsi %add3A_8, %jit3A_9 : i32
    %ne3A_23 = arith.constant 0 : i32
    %ne3A_24 = arith.cmpi ne, %rem3A, %ne3A_23 : i32
    %and3A = arith.andi %ne3A, %ne3A_24 : i1
    %sub3A = arith.constant 1 : i32
    %sub3A_25 = arith.subi %div3A, %sub3A : i32
    %select_n3A_26 = arith.select %and3A, %sub3A_25, %div3A : i32
    %mul3A_27 = arith.constant 8 : i32
    %mul3A_28 = arith.muli %select_n3A_26, %mul3A_27 : i32
    %sub3A_29 = arith.subi %add3A_8, %mul3A_28 : i32
    %dma_start3A = arith.constant 1 : i32
    %dma_start3A_30 = arith.constant 0 : i32
    %dma_start3A_31 = tpu.memref_slice %arg2[%dma_start3A, %mul3A_28, %dma_start3A_30] : memref<2x2560x128xi32, #tpu.memory_space<hbm>> -> memref<1x88x128xi32, #tpu.memory_space<hbm>>
    %dma_start3A_32 = tpu.memref_squeeze %dma_start3A_31 : memref<1x88x128xi32, #tpu.memory_space<hbm>> -> memref<88x128xi32, #tpu.memory_space<hbm>>
    %dma_start3A_33 = arith.constant 0 : i32
    %dma_start3A_34 = tpu.memref_slice %arg2[%dma_start3A, %mul3A_28, %dma_start3A_33] : memref<2x2560x128xi32, #tpu.memory_space<hbm>> -> memref<1x88x128xi32, #tpu.memory_space<hbm>>
    %dma_start3A_35 = tpu.memref_squeeze %dma_start3A_34 : memref<1x88x128xi32, #tpu.memory_space<hbm>> -> memref<88x128xi32, #tpu.memory_space<hbm>>
    tpu.enqueue_dma source(%dma_start3A_35 : memref<88x128xi32, #tpu.memory_space<hbm>>) target(%arg4 : memref<88x128xi32, #tpu.memory_space<vmem>>) target_semaphore(%arg9 : memref<!tpu.dma_semaphore, #tpu.memory_space<semaphore_mem>>)
    %scan3A = arith.constant 0 : i32
    %scan3A_36 = arith.constant 640 : i32
    %scan3A_37 = arith.addi %scan3A, %scan3A_36 : i32
    %scan3A_38 = arith.constant 1 : i32
    scf.for %scan3A_72 = %scan3A to %scan3A_37 step %scan3A_38  : i32 {
      %mul3A_73 = arith.constant 1 : i32
      %mul3A_74 = arith.muli %scan3A_72, %mul3A_73 : i32
      %add3A_75 = arith.constant 0 : i32
      %add3A_76 = arith.addi %add3A_75, %mul3A_74 : i32
      %broadcast_in_dim3A_77 = arith.constant 0.000000e+00 : f32
      %broadcast_in_dim3A_78 = vector.broadcast %broadcast_in_dim3A_77 : f32 to vector<16xf32>
      %mul3A_79 = arith.constant 16 : i32
      %mul3A_80 = arith.muli %add3A_76, %mul3A_79 : i32
      %swap3A = arith.index_cast %mul3A_80 : i32 to index
      %swap3A_81 = tpu.vector_load %arg5[%swap3A] {strides = array<i32>} : memref<10240xf32, #tpu.memory_space<vmem>>, vector<16xf32>,
      tpu.vector_store %arg5[%swap3A], %broadcast_in_dim3A_78 {strides = array<i32>} : memref<10240xf32, #tpu.memory_space<vmem>>, vector<16xf32>,
    }
    %scan3A_39 = arith.constant 640 : i32
    %dma_wait3A = arith.constant 1 : i32
    %dma_wait3A_40 = arith.constant 0 : i32
    %dma_wait3A_41 = tpu.memref_slice %arg2[%dma_wait3A, %mul3A_28, %dma_wait3A_40] : memref<2x2560x128xi32, #tpu.memory_space<hbm>> -> memref<1x88x128xi32, #tpu.memory_space<hbm>>
    %dma_wait3A_42 = tpu.memref_squeeze %dma_wait3A_41 : memref<1x88x128xi32, #tpu.memory_space<hbm>> -> memref<88x128xi32, #tpu.memory_space<hbm>>
    %dma_wait3A_43 = arith.constant 0 : i32
    %dma_wait3A_44 = tpu.memref_slice %arg2[%dma_wait3A, %mul3A_28, %dma_wait3A_43] : memref<2x2560x128xi32, #tpu.memory_space<hbm>> -> memref<1x88x128xi32, #tpu.memory_space<hbm>>
    %dma_wait3A_45 = tpu.memref_squeeze %dma_wait3A_44 : memref<1x88x128xi32, #tpu.memory_space<hbm>> -> memref<88x128xi32, #tpu.memory_space<hbm>>
    tpu.wait_dma2 semaphore(%arg9 : memref<!tpu.dma_semaphore, #tpu.memory_space<semaphore_mem>>) src(%dma_wait3A_45 : memref<88x128xi32, #tpu.memory_space<hbm>>) dst(%arg4 : memref<88x128xi32, #tpu.memory_space<vmem>>)
    %broadcast_in_dim3A = arith.constant 1.000000e+00 : f32
    %broadcast_in_dim3A_46 = vector.broadcast %broadcast_in_dim3A : f32 to vector<16xf32>
    %sub3A_47 = arith.constant 0 : i32
    %sub3A_48 = arith.subi %add3A_5, %sub3A_47 : i32
    %sub3A_49 = arith.constant 1 : i32
    %sub3A_50 = arith.constant 1 : i32
    %sub3A_51 = arith.subi %sub3A_49, %sub3A_50 : i32
    %add3A_52 = arith.addi %sub3A_48, %sub3A_51 : i32
    %div3A_53 = arith.constant 1 : i32
    %div3A_54 = arith.divsi %add3A_52, %div3A_53 : i32
    %while3A = arith.constant 1 : i32
    %while3A_55 = arith.constant 0 : i32
    %while3A_56 = arith.constant 0 : i32
    %while3A_57 = arith.subi %div3A_54, %while3A_56 : i32
    %while3A_58 = arith.addi %while3A_56, %while3A_57 : i32
    %while3A_59 = arith.constant 1 : i32
    %while3A_60 = arith.divsi %while3A_57, %while3A_59 : i32
    %while3A_61 = arith.muli %while3A_60, %while3A_59 : i32
    %while3A_62 = arith.addi %while3A_56, %while3A_61 : i32
    %while3A_63 = arith.constant 1 : i32
    scf.for %while3A_72 = %while3A_56 to %while3A_62 step %while3A_63  : i32 {
      %mul3A_73 = arith.muli %while3A_72, %while3A : i32
      %add3A_74 = arith.addi %while3A_55, %mul3A_73 : i32
      %add3A_75 = arith.addi %sub3A_29, %add3A_74 : i32
      %get3A = arith.index_cast %add3A_75 : i32 to index
      %get3A_76 = arith.constant 0 : index
      %get3A_77 = tpu.vector_load %arg4[%get3A, %get3A_76] {strides = array<i32>} : memref<88x128xi32, #tpu.memory_space<vmem>>, vector<16xi32>,
      tpu.vector_store_idx %arg5[%get3A_77], %broadcast_in_dim3A_46 {add = true} : memref<10240xf32, #tpu.memory_space<vmem>>[vector<16xi32>], vector<16xf32>,
      %add3A_78 = arith.addi %sub3A_29, %add3A_74 : i32
      %get3A_79 = arith.index_cast %add3A_78 : i32 to index
      %get3A_80 = arith.constant 16 : index
      %get3A_81 = tpu.vector_load %arg4[%get3A_79, %get3A_80] {strides = array<i32>} : memref<88x128xi32, #tpu.memory_space<vmem>>, vector<16xi32>,
      tpu.vector_store_idx %arg5[%get3A_81], %broadcast_in_dim3A_46 {add = true} : memref<10240xf32, #tpu.memory_space<vmem>>[vector<16xi32>], vector<16xf32>,
      %add3A_82 = arith.addi %sub3A_29, %add3A_74 : i32
      %get3A_83 = arith.index_cast %add3A_82 : i32 to index
      %get3A_84 = arith.constant 32 : index
      %get3A_85 = tpu.vector_load %arg4[%get3A_83, %get3A_84] {strides = array<i32>} : memref<88x128xi32, #tpu.memory_space<vmem>>, vector<16xi32>,
      tpu.vector_store_idx %arg5[%get3A_85], %broadcast_in_dim3A_46 {add = true} : memref<10240xf32, #tpu.memory_space<vmem>>[vector<16xi32>], vector<16xf32>,
      %add3A_86 = arith.addi %sub3A_29, %add3A_74 : i32
      %get3A_87 = arith.index_cast %add3A_86 : i32 to index
      %get3A_88 = arith.constant 48 : index
      %get3A_89 = tpu.vector_load %arg4[%get3A_87, %get3A_88] {strides = array<i32>} : memref<88x128xi32, #tpu.memory_space<vmem>>, vector<16xi32>,
      tpu.vector_store_idx %arg5[%get3A_89], %broadcast_in_dim3A_46 {add = true} : memref<10240xf32, #tpu.memory_space<vmem>>[vector<16xi32>], vector<16xf32>,
      %add3A_90 = arith.addi %sub3A_29, %add3A_74 : i32
      %get3A_91 = arith.index_cast %add3A_90 : i32 to index
      %get3A_92 = arith.constant 64 : index
      %get3A_93 = tpu.vector_load %arg4[%get3A_91, %get3A_92] {strides = array<i32>} : memref<88x128xi32, #tpu.memory_space<vmem>>, vector<16xi32>,
      tpu.vector_store_idx %arg5[%get3A_93], %broadcast_in_dim3A_46 {add = true} : memref<10240xf32, #tpu.memory_space<vmem>>[vector<16xi32>], vector<16xf32>,
      %add3A_94 = arith.addi %sub3A_29, %add3A_74 : i32
      %get3A_95 = arith.index_cast %add3A_94 : i32 to index
      %get3A_96 = arith.constant 80 : index
      %get3A_97 = tpu.vector_load %arg4[%get3A_95, %get3A_96] {strides = array<i32>} : memref<88x128xi32, #tpu.memory_space<vmem>>, vector<16xi32>,
      tpu.vector_store_idx %arg5[%get3A_97], %broadcast_in_dim3A_46 {add = true} : memref<10240xf32, #tpu.memory_space<vmem>>[vector<16xi32>], vector<16xf32>,
      %add3A_98 = arith.addi %sub3A_29, %add3A_74 : i32
      %get3A_99 = arith.index_cast %add3A_98 : i32 to index
      %get3A_100 = arith.constant 96 : index
      %get3A_101 = tpu.vector_load %arg4[%get3A_99, %get3A_100] {strides = array<i32>} : memref<88x128xi32, #tpu.memory_space<vmem>>, vector<16xi32>,
      tpu.vector_store_idx %arg5[%get3A_101], %broadcast_in_dim3A_46 {add = true} : memref<10240xf32, #tpu.memory_space<vmem>>[vector<16xi32>], vector<16xf32>,
      %add3A_102 = arith.addi %sub3A_29, %add3A_74 : i32
      %get3A_103 = arith.index_cast %add3A_102 : i32 to index
      %get3A_104 = arith.constant 112 : index
      %get3A_105 = tpu.vector_load %arg4[%get3A_103, %get3A_104] {strides = array<i32>} : memref<88x128xi32, #tpu.memory_space<vmem>>, vector<16xi32>,
      tpu.vector_store_idx %arg5[%get3A_105], %broadcast_in_dim3A_46 {add = true} : memref<10240xf32, #tpu.memory_space<vmem>>[vector<16xi32>], vector<16xf32>,
    }
    %while3A_64 = arith.constant 1 : i32
    scf.for %while3A_72 = %while3A_62 to %while3A_58 step %while3A_64  : i32 {
      %mul3A_73 = arith.muli %while3A_72, %while3A : i32
      %add3A_74 = arith.addi %while3A_55, %mul3A_73 : i32
      %add3A_75 = arith.addi %sub3A_29, %add3A_74 : i32
      %get3A = arith.index_cast %add3A_75 : i32 to index
      %get3A_76 = arith.constant 0 : index
      %get3A_77 = tpu.vector_load %arg4[%get3A, %get3A_76] {strides = array<i32>} : memref<88x128xi32, #tpu.memory_space<vmem>>, vector<16xi32>,
      tpu.vector_store_idx %arg5[%get3A_77], %broadcast_in_dim3A_46 {add = true} : memref<10240xf32, #tpu.memory_space<vmem>>[vector<16xi32>], vector<16xf32>,
      %add3A_78 = arith.addi %sub3A_29, %add3A_74 : i32
      %get3A_79 = arith.index_cast %add3A_78 : i32 to index
      %get3A_80 = arith.constant 16 : index
      %get3A_81 = tpu.vector_load %arg4[%get3A_79, %get3A_80] {strides = array<i32>} : memref<88x128xi32, #tpu.memory_space<vmem>>, vector<16xi32>,
      tpu.vector_store_idx %arg5[%get3A_81], %broadcast_in_dim3A_46 {add = true} : memref<10240xf32, #tpu.memory_space<vmem>>[vector<16xi32>], vector<16xf32>,
      %add3A_82 = arith.addi %sub3A_29, %add3A_74 : i32
      %get3A_83 = arith.index_cast %add3A_82 : i32 to index
      %get3A_84 = arith.constant 32 : index
      %get3A_85 = tpu.vector_load %arg4[%get3A_83, %get3A_84] {strides = array<i32>} : memref<88x128xi32, #tpu.memory_space<vmem>>, vector<16xi32>,
      tpu.vector_store_idx %arg5[%get3A_85], %broadcast_in_dim3A_46 {add = true} : memref<10240xf32, #tpu.memory_space<vmem>>[vector<16xi32>], vector<16xf32>,
      %add3A_86 = arith.addi %sub3A_29, %add3A_74 : i32
      %get3A_87 = arith.index_cast %add3A_86 : i32 to index
      %get3A_88 = arith.constant 48 : index
      %get3A_89 = tpu.vector_load %arg4[%get3A_87, %get3A_88] {strides = array<i32>} : memref<88x128xi32, #tpu.memory_space<vmem>>, vector<16xi32>,
      tpu.vector_store_idx %arg5[%get3A_89], %broadcast_in_dim3A_46 {add = true} : memref<10240xf32, #tpu.memory_space<vmem>>[vector<16xi32>], vector<16xf32>,
      %add3A_90 = arith.addi %sub3A_29, %add3A_74 : i32
      %get3A_91 = arith.index_cast %add3A_90 : i32 to index
      %get3A_92 = arith.constant 64 : index
      %get3A_93 = tpu.vector_load %arg4[%get3A_91, %get3A_92] {strides = array<i32>} : memref<88x128xi32, #tpu.memory_space<vmem>>, vector<16xi32>,
      tpu.vector_store_idx %arg5[%get3A_93], %broadcast_in_dim3A_46 {add = true} : memref<10240xf32, #tpu.memory_space<vmem>>[vector<16xi32>], vector<16xf32>,
      %add3A_94 = arith.addi %sub3A_29, %add3A_74 : i32
      %get3A_95 = arith.index_cast %add3A_94 : i32 to index
      %get3A_96 = arith.constant 80 : index
      %get3A_97 = tpu.vector_load %arg4[%get3A_95, %get3A_96] {strides = array<i32>} : memref<88x128xi32, #tpu.memory_space<vmem>>, vector<16xi32>,
      tpu.vector_store_idx %arg5[%get3A_97], %broadcast_in_dim3A_46 {add = true} : memref<10240xf32, #tpu.memory_space<vmem>>[vector<16xi32>], vector<16xf32>,
      %add3A_98 = arith.addi %sub3A_29, %add3A_74 : i32
      %get3A_99 = arith.index_cast %add3A_98 : i32 to index
      %get3A_100 = arith.constant 96 : index
      %get3A_101 = tpu.vector_load %arg4[%get3A_99, %get3A_100] {strides = array<i32>} : memref<88x128xi32, #tpu.memory_space<vmem>>, vector<16xi32>,
      tpu.vector_store_idx %arg5[%get3A_101], %broadcast_in_dim3A_46 {add = true} : memref<10240xf32, #tpu.memory_space<vmem>>[vector<16xi32>], vector<16xf32>,
      %add3A_102 = arith.addi %sub3A_29, %add3A_74 : i32
      %get3A_103 = arith.index_cast %add3A_102 : i32 to index
      %get3A_104 = arith.constant 112 : index
      %get3A_105 = tpu.vector_load %arg4[%get3A_103, %get3A_104] {strides = array<i32>} : memref<88x128xi32, #tpu.memory_space<vmem>>, vector<16xi32>,
      tpu.vector_store_idx %arg5[%get3A_105], %broadcast_in_dim3A_46 {add = true} : memref<10240xf32, #tpu.memory_space<vmem>>[vector<16xi32>], vector<16xf32>,
    }
    "tpu.region"() ({
      %run_scoped3A = tpu.sem_alloc : memref<!tpu.dma_semaphore, #tpu.memory_space<semaphore_mem>>
      %dma_start3A_72 = arith.constant 0 : i32
      %dma_start3A_73 = tpu.memref_slice %arg8[%arg1, %dma_start3A_72] : memref<16x10240xf32, #tpu.memory_space<vmem_shared>> -> memref<1x10240xf32, #tpu.memory_space<vmem_shared>>
      %dma_start3A_74 = tpu.memref_squeeze %dma_start3A_73 : memref<1x10240xf32, #tpu.memory_space<vmem_shared>> -> memref<10240xf32, #tpu.memory_space<vmem_shared>>
      %dma_start3A_75 = arith.constant 0 : i32
      %dma_start3A_76 = tpu.memref_slice %arg8[%arg1, %dma_start3A_75] : memref<16x10240xf32, #tpu.memory_space<vmem_shared>> -> memref<1x10240xf32, #tpu.memory_space<vmem_shared>>
      %dma_start3A_77 = tpu.memref_squeeze %dma_start3A_76 : memref<1x10240xf32, #tpu.memory_space<vmem_shared>> -> memref<10240xf32, #tpu.memory_space<vmem_shared>>
      tpu.enqueue_dma source(%arg5 : memref<10240xf32, #tpu.memory_space<vmem>>) target(%dma_start3A_77 : memref<10240xf32, #tpu.memory_space<vmem_shared>>) target_semaphore(%run_scoped3A : memref<!tpu.dma_semaphore, #tpu.memory_space<semaphore_mem>>)
      %dma_wait3A_78 = arith.constant 0 : i32
      %dma_wait3A_79 = tpu.memref_slice %arg8[%arg1, %dma_wait3A_78] : memref<16x10240xf32, #tpu.memory_space<vmem_shared>> -> memref<1x10240xf32, #tpu.memory_space<vmem_shared>>
      %dma_wait3A_80 = tpu.memref_squeeze %dma_wait3A_79 : memref<1x10240xf32, #tpu.memory_space<vmem_shared>> -> memref<10240xf32, #tpu.memory_space<vmem_shared>>
      %dma_wait3A_81 = arith.constant 0 : i32
      %dma_wait3A_82 = tpu.memref_slice %arg8[%arg1, %dma_wait3A_81] : memref<16x10240xf32, #tpu.memory_space<vmem_shared>> -> memref<1x10240xf32, #tpu.memory_space<vmem_shared>>
      %dma_wait3A_83 = tpu.memref_squeeze %dma_wait3A_82 : memref<1x10240xf32, #tpu.memory_space<vmem_shared>> -> memref<10240xf32, #tpu.memory_space<vmem_shared>>
      tpu.wait_dma2 semaphore(%run_scoped3A : memref<!tpu.dma_semaphore, #tpu.memory_space<semaphore_mem>>) src(%arg5 : memref<10240xf32, #tpu.memory_space<vmem>>) dst(%dma_wait3A_83 : memref<10240xf32, #tpu.memory_space<vmem_shared>>)
      tpu.yield
    }) : () -> ()
    %barrier3A = arith.constant 0 : index
    tpu.barrier barrier_id(%barrier3A)
    %broadcast_in_dim3A_65 = arith.constant 0 : i32
    %broadcast_in_dim3A_66 = vector.broadcast %broadcast_in_dim3A_65 : i32 to vector<16xi32>
    %iota3A = tpu.iota {dimensions = array<i32: 0>} : vector<16xi32>
    %scan3A_67 = arith.constant 0 : i32
    %scan3A_68 = arith.constant 5 : i32
    %scan3A_69 = arith.addi %scan3A_67, %scan3A_68 : i32
    %scan3A_70 = arith.constant 1 : i32
    scf.for %scan3A_72 = %scan3A_67 to %scan3A_69 step %scan3A_70  : i32 {
      %mul3A_73 = arith.constant 1 : i32
      %mul3A_74 = arith.muli %scan3A_72, %mul3A_73 : i32
      %add3A_75 = arith.constant 0 : i32
      %add3A_76 = arith.addi %add3A_75, %mul3A_74 : i32
      %mul3A_77 = arith.constant 5 : i32
      %mul3A_78 = arith.muli %arg1, %mul3A_77 : i32
      %add3A_79 = arith.addi %mul3A_78, %add3A_76 : i32
      %mul3A_80 = arith.constant 128 : i32
      %mul3A_81 = arith.muli %add3A_79, %mul3A_80 : i32
      "tpu.region"() ({
        %run_scoped3A = tpu.sem_alloc : memref<!tpu.dma_semaphore, #tpu.memory_space<semaphore_mem>>
        %dma_start3A_739 = arith.constant 0 : i32
        %dma_start3A_740 = tpu.memref_slice %arg8[%dma_start3A_739, %mul3A_81] : memref<16x10240xf32, #tpu.memory_space<vmem_shared>> -> memref<16x128xf32, #tpu.memory_space<vmem_shared>>
        %dma_start3A_741 = arith.constant 0 : i32
        %dma_start3A_742 = tpu.memref_slice %arg8[%dma_start3A_741, %mul3A_81] : memref<16x10240xf32, #tpu.memory_space<vmem_shared>> -> memref<16x128xf32, #tpu.memory_space<vmem_shared>>
        tpu.enqueue_dma source(%dma_start3A_742 : memref<16x128xf32, #tpu.memory_space<vmem_shared>>) target(%arg6 : memref<16x128xf32, #tpu.memory_space<vmem>>) target_semaphore(%run_scoped3A : memref<!tpu.dma_semaphore, #tpu.memory_space<semaphore_mem>>)
        %dma_wait3A_743 = arith.constant 0 : i32
        %dma_wait3A_744 = tpu.memref_slice %arg8[%dma_wait3A_743, %mul3A_81] : memref<16x10240xf32, #tpu.memory_space<vmem_shared>> -> memref<16x128xf32, #tpu.memory_space<vmem_shared>>
        %dma_wait3A_745 = arith.constant 0 : i32
        %dma_wait3A_746 = tpu.memref_slice %arg8[%dma_wait3A_745, %mul3A_81] : memref<16x10240xf32, #tpu.memory_space<vmem_shared>> -> memref<16x128xf32, #tpu.memory_space<vmem_shared>>
        tpu.wait_dma2 semaphore(%run_scoped3A : memref<!tpu.dma_semaphore, #tpu.memory_space<semaphore_mem>>) src(%dma_wait3A_746 : memref<16x128xf32, #tpu.memory_space<vmem_shared>>) dst(%arg6 : memref<16x128xf32, #tpu.memory_space<vmem>>)
        tpu.yield
      }) : () -> ()
      %get3A = arith.constant 0 : i32
      %get3A_82 = arith.index_cast %get3A : i32 to index
      %get3A_83 = arith.constant 0 : index
      %get3A_84 = tpu.vector_load %arg6[%get3A_82, %get3A_83] {strides = array<i32>} : memref<16x128xf32, #tpu.memory_space<vmem>>, vector<16xf32>,
      %get3A_85 = arith.constant 1 : i32
      %get3A_86 = arith.index_cast %get3A_85 : i32 to index
      %get3A_87 = arith.constant 0 : index
      %get3A_88 = tpu.vector_load %arg6[%get3A_86, %get3A_87] {strides = array<i32>} : memref<16x128xf32, #tpu.memory_space<vmem>>, vector<16xf32>,
      %add3A_89 = arith.addf %get3A_84, %get3A_88 : vector<16xf32>
      %get3A_90 = arith.constant 2 : i32
      %get3A_91 = arith.index_cast %get3A_90 : i32 to index
      %get3A_92 = arith.constant 0 : index
      %get3A_93 = tpu.vector_load %arg6[%get3A_91, %get3A_92] {strides = array<i32>} : memref<16x128xf32, #tpu.memory_space<vmem>>, vector<16xf32>,
      %add3A_94 = arith.addf %add3A_89, %get3A_93 : vector<16xf32>
      %get3A_95 = arith.constant 3 : i32
      %get3A_96 = arith.index_cast %get3A_95 : i32 to index
      %get3A_97 = arith.constant 0 : index
      %get3A_98 = tpu.vector_load %arg6[%get3A_96, %get3A_97] {strides = array<i32>} : memref<16x128xf32, #tpu.memory_space<vmem>>, vector<16xf32>,
      %add3A_99 = arith.addf %add3A_94, %get3A_98 : vector<16xf32>
      %get3A_100 = arith.constant 4 : i32
      %get3A_101 = arith.index_cast %get3A_100 : i32 to index
      %get3A_102 = arith.constant 0 : index
      %get3A_103 = tpu.vector_load %arg6[%get3A_101, %get3A_102] {strides = array<i32>} : memref<16x128xf32, #tpu.memory_space<vmem>>, vector<16xf32>,
      %add3A_104 = arith.addf %add3A_99, %get3A_103 : vector<16xf32>
      %get3A_105 = arith.constant 5 : i32
      %get3A_106 = arith.index_cast %get3A_105 : i32 to index
      %get3A_107 = arith.constant 0 : index
      %get3A_108 = tpu.vector_load %arg6[%get3A_106, %get3A_107] {strides = array<i32>} : memref<16x128xf32, #tpu.memory_space<vmem>>, vector<16xf32>,
      %add3A_109 = arith.addf %add3A_104, %get3A_108 : vector<16xf32>
      %get3A_110 = arith.constant 6 : i32
      %get3A_111 = arith.index_cast %get3A_110 : i32 to index
      %get3A_112 = arith.constant 0 : index
      %get3A_113 = tpu.vector_load %arg6[%get3A_111, %get3A_112] {strides = array<i32>} : memref<16x128xf32, #tpu.memory_space<vmem>>, vector<16xf32>,
      %add3A_114 = arith.addf %add3A_109, %get3A_113 : vector<16xf32>
      %get3A_115 = arith.constant 7 : i32
      %get3A_116 = arith.index_cast %get3A_115 : i32 to index
      %get3A_117 = arith.constant 0 : index
      %get3A_118 = tpu.vector_load %arg6[%get3A_116, %get3A_117] {strides = array<i32>} : memref<16x128xf32, #tpu.memory_space<vmem>>, vector<16xf32>,
      %add3A_119 = arith.addf %add3A_114, %get3A_118 : vector<16xf32>
      %get3A_120 = arith.constant 8 : i32
      %get3A_121 = arith.index_cast %get3A_120 : i32 to index
      %get3A_122 = arith.constant 0 : index
      %get3A_123 = tpu.vector_load %arg6[%get3A_121, %get3A_122] {strides = array<i32>} : memref<16x128xf32, #tpu.memory_space<vmem>>, vector<16xf32>,
      %add3A_124 = arith.addf %add3A_119, %get3A_123 : vector<16xf32>
      %get3A_125 = arith.constant 9 : i32
      %get3A_126 = arith.index_cast %get3A_125 : i32 to index
      %get3A_127 = arith.constant 0 : index
      %get3A_128 = tpu.vector_load %arg6[%get3A_126, %get3A_127] {strides = array<i32>} : memref<16x128xf32, #tpu.memory_space<vmem>>, vector<16xf32>,
      %add3A_129 = arith.addf %add3A_124, %get3A_128 : vector<16xf32>
      %get3A_130 = arith.constant 10 : i32
      %get3A_131 = arith.index_cast %get3A_130 : i32 to index
      %get3A_132 = arith.constant 0 : index
      %get3A_133 = tpu.vector_load %arg6[%get3A_131, %get3A_132] {strides = array<i32>} : memref<16x128xf32, #tpu.memory_space<vmem>>, vector<16xf32>,
      %add3A_134 = arith.addf %add3A_129, %get3A_133 : vector<16xf32>
      %get3A_135 = arith.constant 11 : i32
      %get3A_136 = arith.index_cast %get3A_135 : i32 to index
      %get3A_137 = arith.constant 0 : index
      %get3A_138 = tpu.vector_load %arg6[%get3A_136, %get3A_137] {strides = array<i32>} : memref<16x128xf32, #tpu.memory_space<vmem>>, vector<16xf32>,
      %add3A_139 = arith.addf %add3A_134, %get3A_138 : vector<16xf32>
      %get3A_140 = arith.constant 12 : i32
      %get3A_141 = arith.index_cast %get3A_140 : i32 to index
      %get3A_142 = arith.constant 0 : index
      %get3A_143 = tpu.vector_load %arg6[%get3A_141, %get3A_142] {strides = array<i32>} : memref<16x128xf32, #tpu.memory_space<vmem>>, vector<16xf32>,
      %add3A_144 = arith.addf %add3A_139, %get3A_143 : vector<16xf32>
      %get3A_145 = arith.constant 13 : i32
      %get3A_146 = arith.index_cast %get3A_145 : i32 to index
      %get3A_147 = arith.constant 0 : index
      %get3A_148 = tpu.vector_load %arg6[%get3A_146, %get3A_147] {strides = array<i32>} : memref<16x128xf32, #tpu.memory_space<vmem>>, vector<16xf32>,
      %add3A_149 = arith.addf %add3A_144, %get3A_148 : vector<16xf32>
      %get3A_150 = arith.constant 14 : i32
      %get3A_151 = arith.index_cast %get3A_150 : i32 to index
      %get3A_152 = arith.constant 0 : index
      %get3A_153 = tpu.vector_load %arg6[%get3A_151, %get3A_152] {strides = array<i32>} : memref<16x128xf32, #tpu.memory_space<vmem>>, vector<16xf32>,
      %add3A_154 = arith.addf %add3A_149, %get3A_153 : vector<16xf32>
      %get3A_155 = arith.constant 15 : i32
      %get3A_156 = arith.index_cast %get3A_155 : i32 to index
      %get3A_157 = arith.constant 0 : index
      %get3A_158 = tpu.vector_load %arg6[%get3A_156, %get3A_157] {strides = array<i32>} : memref<16x128xf32, #tpu.memory_space<vmem>>, vector<16xf32>,
      %add3A_159 = arith.addf %add3A_154, %get3A_158 : vector<16xf32>
      %add3A_160 = arith.constant 0 : i32
      %add3A_161 = vector.broadcast %add3A_160 : i32 to vector<16xi32>
      %add3A_162 = arith.addi %add3A_161, %iota3A : vector<16xi32>
      tpu.vector_store_idx %arg7[%add3A_162, %broadcast_in_dim3A_66], %add3A_159 : memref<128x128xf32, #tpu.memory_space<vmem>>[vector<16xi32>, vector<16xi32>], vector<16xf32>,
      %get3A_163 = arith.constant 0 : i32
      %get3A_164 = arith.index_cast %get3A_163 : i32 to index
      %get3A_165 = arith.constant 16 : index
      %get3A_166 = tpu.vector_load %arg6[%get3A_164, %get3A_165] {strides = array<i32>} : memref<16x128xf32, #tpu.memory_space<vmem>>, vector<16xf32>,
      %get3A_167 = arith.constant 1 : i32
      %get3A_168 = arith.index_cast %get3A_167 : i32 to index
      %get3A_169 = arith.constant 16 : index
      %get3A_170 = tpu.vector_load %arg6[%get3A_168, %get3A_169] {strides = array<i32>} : memref<16x128xf32, #tpu.memory_space<vmem>>, vector<16xf32>,
      %add3A_171 = arith.addf %get3A_166, %get3A_170 : vector<16xf32>
      %get3A_172 = arith.constant 2 : i32
      %get3A_173 = arith.index_cast %get3A_172 : i32 to index
      %get3A_174 = arith.constant 16 : index
      %get3A_175 = tpu.vector_load %arg6[%get3A_173, %get3A_174] {strides = array<i32>} : memref<16x128xf32, #tpu.memory_space<vmem>>, vector<16xf32>,
      %add3A_176 = arith.addf %add3A_171, %get3A_175 : vector<16xf32>
      %get3A_177 = arith.constant 3 : i32
      %get3A_178 = arith.index_cast %get3A_177 : i32 to index
      %get3A_179 = arith.constant 16 : index
      %get3A_180 = tpu.vector_load %arg6[%get3A_178, %get3A_179] {strides = array<i32>} : memref<16x128xf32, #tpu.memory_space<vmem>>, vector<16xf32>,
      %add3A_181 = arith.addf %add3A_176, %get3A_180 : vector<16xf32>
      %get3A_182 = arith.constant 4 : i32
      %get3A_183 = arith.index_cast %get3A_182 : i32 to index
      %get3A_184 = arith.constant 16 : index
      %get3A_185 = tpu.vector_load %arg6[%get3A_183, %get3A_184] {strides = array<i32>} : memref<16x128xf32, #tpu.memory_space<vmem>>, vector<16xf32>,
      %add3A_186 = arith.addf %add3A_181, %get3A_185 : vector<16xf32>
      %get3A_187 = arith.constant 5 : i32
      %get3A_188 = arith.index_cast %get3A_187 : i32 to index
      %get3A_189 = arith.constant 16 : index
      %get3A_190 = tpu.vector_load %arg6[%get3A_188, %get3A_189] {strides = array<i32>} : memref<16x128xf32, #tpu.memory_space<vmem>>, vector<16xf32>,
      %add3A_191 = arith.addf %add3A_186, %get3A_190 : vector<16xf32>
      %get3A_192 = arith.constant 6 : i32
      %get3A_193 = arith.index_cast %get3A_192 : i32 to index
      %get3A_194 = arith.constant 16 : index
      %get3A_195 = tpu.vector_load %arg6[%get3A_193, %get3A_194] {strides = array<i32>} : memref<16x128xf32, #tpu.memory_space<vmem>>, vector<16xf32>,
      %add3A_196 = arith.addf %add3A_191, %get3A_195 : vector<16xf32>
      %get3A_197 = arith.constant 7 : i32
      %get3A_198 = arith.index_cast %get3A_197 : i32 to index
      %get3A_199 = arith.constant 16 : index
      %get3A_200 = tpu.vector_load %arg6[%get3A_198, %get3A_199] {strides = array<i32>} : memref<16x128xf32, #tpu.memory_space<vmem>>, vector<16xf32>,
      %add3A_201 = arith.addf %add3A_196, %get3A_200 : vector<16xf32>
      %get3A_202 = arith.constant 8 : i32
      %get3A_203 = arith.index_cast %get3A_202 : i32 to index
      %get3A_204 = arith.constant 16 : index
      %get3A_205 = tpu.vector_load %arg6[%get3A_203, %get3A_204] {strides = array<i32>} : memref<16x128xf32, #tpu.memory_space<vmem>>, vector<16xf32>,
      %add3A_206 = arith.addf %add3A_201, %get3A_205 : vector<16xf32>
      %get3A_207 = arith.constant 9 : i32
      %get3A_208 = arith.index_cast %get3A_207 : i32 to index
      %get3A_209 = arith.constant 16 : index
      %get3A_210 = tpu.vector_load %arg6[%get3A_208, %get3A_209] {strides = array<i32>} : memref<16x128xf32, #tpu.memory_space<vmem>>, vector<16xf32>,
      %add3A_211 = arith.addf %add3A_206, %get3A_210 : vector<16xf32>
      %get3A_212 = arith.constant 10 : i32
      %get3A_213 = arith.index_cast %get3A_212 : i32 to index
      %get3A_214 = arith.constant 16 : index
      %get3A_215 = tpu.vector_load %arg6[%get3A_213, %get3A_214] {strides = array<i32>} : memref<16x128xf32, #tpu.memory_space<vmem>>, vector<16xf32>,
      %add3A_216 = arith.addf %add3A_211, %get3A_215 : vector<16xf32>
      %get3A_217 = arith.constant 11 : i32
      %get3A_218 = arith.index_cast %get3A_217 : i32 to index
      %get3A_219 = arith.constant 16 : index
      %get3A_220 = tpu.vector_load %arg6[%get3A_218, %get3A_219] {strides = array<i32>} : memref<16x128xf32, #tpu.memory_space<vmem>>, vector<16xf32>,
      %add3A_221 = arith.addf %add3A_216, %get3A_220 : vector<16xf32>
      %get3A_222 = arith.constant 12 : i32
      %get3A_223 = arith.index_cast %get3A_222 : i32 to index
      %get3A_224 = arith.constant 16 : index
      %get3A_225 = tpu.vector_load %arg6[%get3A_223, %get3A_224] {strides = array<i32>} : memref<16x128xf32, #tpu.memory_space<vmem>>, vector<16xf32>,
      %add3A_226 = arith.addf %add3A_221, %get3A_225 : vector<16xf32>
      %get3A_227 = arith.constant 13 : i32
      %get3A_228 = arith.index_cast %get3A_227 : i32 to index
      %get3A_229 = arith.constant 16 : index
      %get3A_230 = tpu.vector_load %arg6[%get3A_228, %get3A_229] {strides = array<i32>} : memref<16x128xf32, #tpu.memory_space<vmem>>, vector<16xf32>,
      %add3A_231 = arith.addf %add3A_226, %get3A_230 : vector<16xf32>
      %get3A_232 = arith.constant 14 : i32
      %get3A_233 = arith.index_cast %get3A_232 : i32 to index
      %get3A_234 = arith.constant 16 : index
      %get3A_235 = tpu.vector_load %arg6[%get3A_233, %get3A_234] {strides = array<i32>} : memref<16x128xf32, #tpu.memory_space<vmem>>, vector<16xf32>,
      %add3A_236 = arith.addf %add3A_231, %get3A_235 : vector<16xf32>
      %get3A_237 = arith.constant 15 : i32
      %get3A_238 = arith.index_cast %get3A_237 : i32 to index
      %get3A_239 = arith.constant 16 : index
      %get3A_240 = tpu.vector_load %arg6[%get3A_238, %get3A_239] {strides = array<i32>} : memref<16x128xf32, #tpu.memory_space<vmem>>, vector<16xf32>,
      %add3A_241 = arith.addf %add3A_236, %get3A_240 : vector<16xf32>
      %add3A_242 = arith.constant 16 : i32
      %add3A_243 = vector.broadcast %add3A_242 : i32 to vector<16xi32>
      %add3A_244 = arith.addi %add3A_243, %iota3A : vector<16xi32>
      tpu.vector_store_idx %arg7[%add3A_244, %broadcast_in_dim3A_66], %add3A_241 : memref<128x128xf32, #tpu.memory_space<vmem>>[vector<16xi32>, vector<16xi32>], vector<16xf32>,
      %get3A_245 = arith.constant 0 : i32
      %get3A_246 = arith.index_cast %get3A_245 : i32 to index
      %get3A_247 = arith.constant 32 : index
      %get3A_248 = tpu.vector_load %arg6[%get3A_246, %get3A_247] {strides = array<i32>} : memref<16x128xf32, #tpu.memory_space<vmem>>, vector<16xf32>,
      %get3A_249 = arith.constant 1 : i32
      %get3A_250 = arith.index_cast %get3A_249 : i32 to index
      %get3A_251 = arith.constant 32 : index
      %get3A_252 = tpu.vector_load %arg6[%get3A_250, %get3A_251] {strides = array<i32>} : memref<16x128xf32, #tpu.memory_space<vmem>>, vector<16xf32>,
      %add3A_253 = arith.addf %get3A_248, %get3A_252 : vector<16xf32>
      %get3A_254 = arith.constant 2 : i32
      %get3A_255 = arith.index_cast %get3A_254 : i32 to index
      %get3A_256 = arith.constant 32 : index
      %get3A_257 = tpu.vector_load %arg6[%get3A_255, %get3A_256] {strides = array<i32>} : memref<16x128xf32, #tpu.memory_space<vmem>>, vector<16xf32>,
      %add3A_258 = arith.addf %add3A_253, %get3A_257 : vector<16xf32>
      %get3A_259 = arith.constant 3 : i32
      %get3A_260 = arith.index_cast %get3A_259 : i32 to index
      %get3A_261 = arith.constant 32 : index
      %get3A_262 = tpu.vector_load %arg6[%get3A_260, %get3A_261] {strides = array<i32>} : memref<16x128xf32, #tpu.memory_space<vmem>>, vector<16xf32>,
      %add3A_263 = arith.addf %add3A_258, %get3A_262 : vector<16xf32>
      %get3A_264 = arith.constant 4 : i32
      %get3A_265 = arith.index_cast %get3A_264 : i32 to index
      %get3A_266 = arith.constant 32 : index
      %get3A_267 = tpu.vector_load %arg6[%get3A_265, %get3A_266] {strides = array<i32>} : memref<16x128xf32, #tpu.memory_space<vmem>>, vector<16xf32>,
      %add3A_268 = arith.addf %add3A_263, %get3A_267 : vector<16xf32>
      %get3A_269 = arith.constant 5 : i32
      %get3A_270 = arith.index_cast %get3A_269 : i32 to index
      %get3A_271 = arith.constant 32 : index
      %get3A_272 = tpu.vector_load %arg6[%get3A_270, %get3A_271] {strides = array<i32>} : memref<16x128xf32, #tpu.memory_space<vmem>>, vector<16xf32>,
      %add3A_273 = arith.addf %add3A_268, %get3A_272 : vector<16xf32>
      %get3A_274 = arith.constant 6 : i32
      %get3A_275 = arith.index_cast %get3A_274 : i32 to index
      %get3A_276 = arith.constant 32 : index
      %get3A_277 = tpu.vector_load %arg6[%get3A_275, %get3A_276] {strides = array<i32>} : memref<16x128xf32, #tpu.memory_space<vmem>>, vector<16xf32>,
      %add3A_278 = arith.addf %add3A_273, %get3A_277 : vector<16xf32>
      %get3A_279 = arith.constant 7 : i32
      %get3A_280 = arith.index_cast %get3A_279 : i32 to index
      %get3A_281 = arith.constant 32 : index
      %get3A_282 = tpu.vector_load %arg6[%get3A_280, %get3A_281] {strides = array<i32>} : memref<16x128xf32, #tpu.memory_space<vmem>>, vector<16xf32>,
      %add3A_283 = arith.addf %add3A_278, %get3A_282 : vector<16xf32>
      %get3A_284 = arith.constant 8 : i32
      %get3A_285 = arith.index_cast %get3A_284 : i32 to index
      %get3A_286 = arith.constant 32 : index
      %get3A_287 = tpu.vector_load %arg6[%get3A_285, %get3A_286] {strides = array<i32>} : memref<16x128xf32, #tpu.memory_space<vmem>>, vector<16xf32>,
      %add3A_288 = arith.addf %add3A_283, %get3A_287 : vector<16xf32>
      %get3A_289 = arith.constant 9 : i32
      %get3A_290 = arith.index_cast %get3A_289 : i32 to index
      %get3A_291 = arith.constant 32 : index
      %get3A_292 = tpu.vector_load %arg6[%get3A_290, %get3A_291] {strides = array<i32>} : memref<16x128xf32, #tpu.memory_space<vmem>>, vector<16xf32>,
      %add3A_293 = arith.addf %add3A_288, %get3A_292 : vector<16xf32>
      %get3A_294 = arith.constant 10 : i32
      %get3A_295 = arith.index_cast %get3A_294 : i32 to index
      %get3A_296 = arith.constant 32 : index
      %get3A_297 = tpu.vector_load %arg6[%get3A_295, %get3A_296] {strides = array<i32>} : memref<16x128xf32, #tpu.memory_space<vmem>>, vector<16xf32>,
      %add3A_298 = arith.addf %add3A_293, %get3A_297 : vector<16xf32>
      %get3A_299 = arith.constant 11 : i32
      %get3A_300 = arith.index_cast %get3A_299 : i32 to index
      %get3A_301 = arith.constant 32 : index
      %get3A_302 = tpu.vector_load %arg6[%get3A_300, %get3A_301] {strides = array<i32>} : memref<16x128xf32, #tpu.memory_space<vmem>>, vector<16xf32>,
      %add3A_303 = arith.addf %add3A_298, %get3A_302 : vector<16xf32>
      %get3A_304 = arith.constant 12 : i32
      %get3A_305 = arith.index_cast %get3A_304 : i32 to index
      %get3A_306 = arith.constant 32 : index
      %get3A_307 = tpu.vector_load %arg6[%get3A_305, %get3A_306] {strides = array<i32>} : memref<16x128xf32, #tpu.memory_space<vmem>>, vector<16xf32>,
      %add3A_308 = arith.addf %add3A_303, %get3A_307 : vector<16xf32>
      %get3A_309 = arith.constant 13 : i32
      %get3A_310 = arith.index_cast %get3A_309 : i32 to index
      %get3A_311 = arith.constant 32 : index
      %get3A_312 = tpu.vector_load %arg6[%get3A_310, %get3A_311] {strides = array<i32>} : memref<16x128xf32, #tpu.memory_space<vmem>>, vector<16xf32>,
      %add3A_313 = arith.addf %add3A_308, %get3A_312 : vector<16xf32>
      %get3A_314 = arith.constant 14 : i32
      %get3A_315 = arith.index_cast %get3A_314 : i32 to index
      %get3A_316 = arith.constant 32 : index
      %get3A_317 = tpu.vector_load %arg6[%get3A_315, %get3A_316] {strides = array<i32>} : memref<16x128xf32, #tpu.memory_space<vmem>>, vector<16xf32>,
      %add3A_318 = arith.addf %add3A_313, %get3A_317 : vector<16xf32>
      %get3A_319 = arith.constant 15 : i32
      %get3A_320 = arith.index_cast %get3A_319 : i32 to index
      %get3A_321 = arith.constant 32 : index
      %get3A_322 = tpu.vector_load %arg6[%get3A_320, %get3A_321] {strides = array<i32>} : memref<16x128xf32, #tpu.memory_space<vmem>>, vector<16xf32>,
      %add3A_323 = arith.addf %add3A_318, %get3A_322 : vector<16xf32>
      %add3A_324 = arith.constant 32 : i32
      %add3A_325 = vector.broadcast %add3A_324 : i32 to vector<16xi32>
      %add3A_326 = arith.addi %add3A_325, %iota3A : vector<16xi32>
      tpu.vector_store_idx %arg7[%add3A_326, %broadcast_in_dim3A_66], %add3A_323 : memref<128x128xf32, #tpu.memory_space<vmem>>[vector<16xi32>, vector<16xi32>], vector<16xf32>,
      %get3A_327 = arith.constant 0 : i32
      %get3A_328 = arith.index_cast %get3A_327 : i32 to index
      %get3A_329 = arith.constant 48 : index
      %get3A_330 = tpu.vector_load %arg6[%get3A_328, %get3A_329] {strides = array<i32>} : memref<16x128xf32, #tpu.memory_space<vmem>>, vector<16xf32>,
      %get3A_331 = arith.constant 1 : i32
      %get3A_332 = arith.index_cast %get3A_331 : i32 to index
      %get3A_333 = arith.constant 48 : index
      %get3A_334 = tpu.vector_load %arg6[%get3A_332, %get3A_333] {strides = array<i32>} : memref<16x128xf32, #tpu.memory_space<vmem>>, vector<16xf32>,
      %add3A_335 = arith.addf %get3A_330, %get3A_334 : vector<16xf32>
      %get3A_336 = arith.constant 2 : i32
      %get3A_337 = arith.index_cast %get3A_336 : i32 to index
      %get3A_338 = arith.constant 48 : index
      %get3A_339 = tpu.vector_load %arg6[%get3A_337, %get3A_338] {strides = array<i32>} : memref<16x128xf32, #tpu.memory_space<vmem>>, vector<16xf32>,
      %add3A_340 = arith.addf %add3A_335, %get3A_339 : vector<16xf32>
      %get3A_341 = arith.constant 3 : i32
      %get3A_342 = arith.index_cast %get3A_341 : i32 to index
      %get3A_343 = arith.constant 48 : index
      %get3A_344 = tpu.vector_load %arg6[%get3A_342, %get3A_343] {strides = array<i32>} : memref<16x128xf32, #tpu.memory_space<vmem>>, vector<16xf32>,
      %add3A_345 = arith.addf %add3A_340, %get3A_344 : vector<16xf32>
      %get3A_346 = arith.constant 4 : i32
      %get3A_347 = arith.index_cast %get3A_346 : i32 to index
      %get3A_348 = arith.constant 48 : index
      %get3A_349 = tpu.vector_load %arg6[%get3A_347, %get3A_348] {strides = array<i32>} : memref<16x128xf32, #tpu.memory_space<vmem>>, vector<16xf32>,
      %add3A_350 = arith.addf %add3A_345, %get3A_349 : vector<16xf32>
      %get3A_351 = arith.constant 5 : i32
      %get3A_352 = arith.index_cast %get3A_351 : i32 to index
      %get3A_353 = arith.constant 48 : index
      %get3A_354 = tpu.vector_load %arg6[%get3A_352, %get3A_353] {strides = array<i32>} : memref<16x128xf32, #tpu.memory_space<vmem>>, vector<16xf32>,
      %add3A_355 = arith.addf %add3A_350, %get3A_354 : vector<16xf32>
      %get3A_356 = arith.constant 6 : i32
      %get3A_357 = arith.index_cast %get3A_356 : i32 to index
      %get3A_358 = arith.constant 48 : index
      %get3A_359 = tpu.vector_load %arg6[%get3A_357, %get3A_358] {strides = array<i32>} : memref<16x128xf32, #tpu.memory_space<vmem>>, vector<16xf32>,
      %add3A_360 = arith.addf %add3A_355, %get3A_359 : vector<16xf32>
      %get3A_361 = arith.constant 7 : i32
      %get3A_362 = arith.index_cast %get3A_361 : i32 to index
      %get3A_363 = arith.constant 48 : index
      %get3A_364 = tpu.vector_load %arg6[%get3A_362, %get3A_363] {strides = array<i32>} : memref<16x128xf32, #tpu.memory_space<vmem>>, vector<16xf32>,
      %add3A_365 = arith.addf %add3A_360, %get3A_364 : vector<16xf32>
      %get3A_366 = arith.constant 8 : i32
      %get3A_367 = arith.index_cast %get3A_366 : i32 to index
      %get3A_368 = arith.constant 48 : index
      %get3A_369 = tpu.vector_load %arg6[%get3A_367, %get3A_368] {strides = array<i32>} : memref<16x128xf32, #tpu.memory_space<vmem>>, vector<16xf32>,
      %add3A_370 = arith.addf %add3A_365, %get3A_369 : vector<16xf32>
      %get3A_371 = arith.constant 9 : i32
      %get3A_372 = arith.index_cast %get3A_371 : i32 to index
      %get3A_373 = arith.constant 48 : index
      %get3A_374 = tpu.vector_load %arg6[%get3A_372, %get3A_373] {strides = array<i32>} : memref<16x128xf32, #tpu.memory_space<vmem>>, vector<16xf32>,
      %add3A_375 = arith.addf %add3A_370, %get3A_374 : vector<16xf32>
      %get3A_376 = arith.constant 10 : i32
      %get3A_377 = arith.index_cast %get3A_376 : i32 to index
      %get3A_378 = arith.constant 48 : index
      %get3A_379 = tpu.vector_load %arg6[%get3A_377, %get3A_378] {strides = array<i32>} : memref<16x128xf32, #tpu.memory_space<vmem>>, vector<16xf32>,
      %add3A_380 = arith.addf %add3A_375, %get3A_379 : vector<16xf32>
      %get3A_381 = arith.constant 11 : i32
      %get3A_382 = arith.index_cast %get3A_381 : i32 to index
      %get3A_383 = arith.constant 48 : index
      %get3A_384 = tpu.vector_load %arg6[%get3A_382, %get3A_383] {strides = array<i32>} : memref<16x128xf32, #tpu.memory_space<vmem>>, vector<16xf32>,
      %add3A_385 = arith.addf %add3A_380, %get3A_384 : vector<16xf32>
      %get3A_386 = arith.constant 12 : i32
      %get3A_387 = arith.index_cast %get3A_386 : i32 to index
      %get3A_388 = arith.constant 48 : index
      %get3A_389 = tpu.vector_load %arg6[%get3A_387, %get3A_388] {strides = array<i32>} : memref<16x128xf32, #tpu.memory_space<vmem>>, vector<16xf32>,
      %add3A_390 = arith.addf %add3A_385, %get3A_389 : vector<16xf32>
      %get3A_391 = arith.constant 13 : i32
      %get3A_392 = arith.index_cast %get3A_391 : i32 to index
      %get3A_393 = arith.constant 48 : index
      %get3A_394 = tpu.vector_load %arg6[%get3A_392, %get3A_393] {strides = array<i32>} : memref<16x128xf32, #tpu.memory_space<vmem>>, vector<16xf32>,
      %add3A_395 = arith.addf %add3A_390, %get3A_394 : vector<16xf32>
      %get3A_396 = arith.constant 14 : i32
      %get3A_397 = arith.index_cast %get3A_396 : i32 to index
      %get3A_398 = arith.constant 48 : index
      %get3A_399 = tpu.vector_load %arg6[%get3A_397, %get3A_398] {strides = array<i32>} : memref<16x128xf32, #tpu.memory_space<vmem>>, vector<16xf32>,
      %add3A_400 = arith.addf %add3A_395, %get3A_399 : vector<16xf32>
      %get3A_401 = arith.constant 15 : i32
      %get3A_402 = arith.index_cast %get3A_401 : i32 to index
      %get3A_403 = arith.constant 48 : index
      %get3A_404 = tpu.vector_load %arg6[%get3A_402, %get3A_403] {strides = array<i32>} : memref<16x128xf32, #tpu.memory_space<vmem>>, vector<16xf32>,
      %add3A_405 = arith.addf %add3A_400, %get3A_404 : vector<16xf32>
      %add3A_406 = arith.constant 48 : i32
      %add3A_407 = vector.broadcast %add3A_406 : i32 to vector<16xi32>
      %add3A_408 = arith.addi %add3A_407, %iota3A : vector<16xi32>
      tpu.vector_store_idx %arg7[%add3A_408, %broadcast_in_dim3A_66], %add3A_405 : memref<128x128xf32, #tpu.memory_space<vmem>>[vector<16xi32>, vector<16xi32>], vector<16xf32>,
      %get3A_409 = arith.constant 0 : i32
      %get3A_410 = arith.index_cast %get3A_409 : i32 to index
      %get3A_411 = arith.constant 64 : index
      %get3A_412 = tpu.vector_load %arg6[%get3A_410, %get3A_411] {strides = array<i32>} : memref<16x128xf32, #tpu.memory_space<vmem>>, vector<16xf32>,
      %get3A_413 = arith.constant 1 : i32
      %get3A_414 = arith.index_cast %get3A_413 : i32 to index
      %get3A_415 = arith.constant 64 : index
      %get3A_416 = tpu.vector_load %arg6[%get3A_414, %get3A_415] {strides = array<i32>} : memref<16x128xf32, #tpu.memory_space<vmem>>, vector<16xf32>,
      %add3A_417 = arith.addf %get3A_412, %get3A_416 : vector<16xf32>
      %get3A_418 = arith.constant 2 : i32
      %get3A_419 = arith.index_cast %get3A_418 : i32 to index
      %get3A_420 = arith.constant 64 : index
      %get3A_421 = tpu.vector_load %arg6[%get3A_419, %get3A_420] {strides = array<i32>} : memref<16x128xf32, #tpu.memory_space<vmem>>, vector<16xf32>,
      %add3A_422 = arith.addf %add3A_417, %get3A_421 : vector<16xf32>
      %get3A_423 = arith.constant 3 : i32
      %get3A_424 = arith.index_cast %get3A_423 : i32 to index
      %get3A_425 = arith.constant 64 : index
      %get3A_426 = tpu.vector_load %arg6[%get3A_424, %get3A_425] {strides = array<i32>} : memref<16x128xf32, #tpu.memory_space<vmem>>, vector<16xf32>,
      %add3A_427 = arith.addf %add3A_422, %get3A_426 : vector<16xf32>
      %get3A_428 = arith.constant 4 : i32
      %get3A_429 = arith.index_cast %get3A_428 : i32 to index
      %get3A_430 = arith.constant 64 : index
      %get3A_431 = tpu.vector_load %arg6[%get3A_429, %get3A_430] {strides = array<i32>} : memref<16x128xf32, #tpu.memory_space<vmem>>, vector<16xf32>,
      %add3A_432 = arith.addf %add3A_427, %get3A_431 : vector<16xf32>
      %get3A_433 = arith.constant 5 : i32
      %get3A_434 = arith.index_cast %get3A_433 : i32 to index
      %get3A_435 = arith.constant 64 : index
      %get3A_436 = tpu.vector_load %arg6[%get3A_434, %get3A_435] {strides = array<i32>} : memref<16x128xf32, #tpu.memory_space<vmem>>, vector<16xf32>,
      %add3A_437 = arith.addf %add3A_432, %get3A_436 : vector<16xf32>
      %get3A_438 = arith.constant 6 : i32
      %get3A_439 = arith.index_cast %get3A_438 : i32 to index
      %get3A_440 = arith.constant 64 : index
      %get3A_441 = tpu.vector_load %arg6[%get3A_439, %get3A_440] {strides = array<i32>} : memref<16x128xf32, #tpu.memory_space<vmem>>, vector<16xf32>,
      %add3A_442 = arith.addf %add3A_437, %get3A_441 : vector<16xf32>
      %get3A_443 = arith.constant 7 : i32
      %get3A_444 = arith.index_cast %get3A_443 : i32 to index
      %get3A_445 = arith.constant 64 : index
      %get3A_446 = tpu.vector_load %arg6[%get3A_444, %get3A_445] {strides = array<i32>} : memref<16x128xf32, #tpu.memory_space<vmem>>, vector<16xf32>,
      %add3A_447 = arith.addf %add3A_442, %get3A_446 : vector<16xf32>
      %get3A_448 = arith.constant 8 : i32
      %get3A_449 = arith.index_cast %get3A_448 : i32 to index
      %get3A_450 = arith.constant 64 : index
      %get3A_451 = tpu.vector_load %arg6[%get3A_449, %get3A_450] {strides = array<i32>} : memref<16x128xf32, #tpu.memory_space<vmem>>, vector<16xf32>,
      %add3A_452 = arith.addf %add3A_447, %get3A_451 : vector<16xf32>
      %get3A_453 = arith.constant 9 : i32
      %get3A_454 = arith.index_cast %get3A_453 : i32 to index
      %get3A_455 = arith.constant 64 : index
      %get3A_456 = tpu.vector_load %arg6[%get3A_454, %get3A_455] {strides = array<i32>} : memref<16x128xf32, #tpu.memory_space<vmem>>, vector<16xf32>,
      %add3A_457 = arith.addf %add3A_452, %get3A_456 : vector<16xf32>
      %get3A_458 = arith.constant 10 : i32
      %get3A_459 = arith.index_cast %get3A_458 : i32 to index
      %get3A_460 = arith.constant 64 : index
      %get3A_461 = tpu.vector_load %arg6[%get3A_459, %get3A_460] {strides = array<i32>} : memref<16x128xf32, #tpu.memory_space<vmem>>, vector<16xf32>,
      %add3A_462 = arith.addf %add3A_457, %get3A_461 : vector<16xf32>
      %get3A_463 = arith.constant 11 : i32
      %get3A_464 = arith.index_cast %get3A_463 : i32 to index
      %get3A_465 = arith.constant 64 : index
      %get3A_466 = tpu.vector_load %arg6[%get3A_464, %get3A_465] {strides = array<i32>} : memref<16x128xf32, #tpu.memory_space<vmem>>, vector<16xf32>,
      %add3A_467 = arith.addf %add3A_462, %get3A_466 : vector<16xf32>
      %get3A_468 = arith.constant 12 : i32
      %get3A_469 = arith.index_cast %get3A_468 : i32 to index
      %get3A_470 = arith.constant 64 : index
      %get3A_471 = tpu.vector_load %arg6[%get3A_469, %get3A_470] {strides = array<i32>} : memref<16x128xf32, #tpu.memory_space<vmem>>, vector<16xf32>,
      %add3A_472 = arith.addf %add3A_467, %get3A_471 : vector<16xf32>
      %get3A_473 = arith.constant 13 : i32
      %get3A_474 = arith.index_cast %get3A_473 : i32 to index
      %get3A_475 = arith.constant 64 : index
      %get3A_476 = tpu.vector_load %arg6[%get3A_474, %get3A_475] {strides = array<i32>} : memref<16x128xf32, #tpu.memory_space<vmem>>, vector<16xf32>,
      %add3A_477 = arith.addf %add3A_472, %get3A_476 : vector<16xf32>
      %get3A_478 = arith.constant 14 : i32
      %get3A_479 = arith.index_cast %get3A_478 : i32 to index
      %get3A_480 = arith.constant 64 : index
      %get3A_481 = tpu.vector_load %arg6[%get3A_479, %get3A_480] {strides = array<i32>} : memref<16x128xf32, #tpu.memory_space<vmem>>, vector<16xf32>,
      %add3A_482 = arith.addf %add3A_477, %get3A_481 : vector<16xf32>
      %get3A_483 = arith.constant 15 : i32
      %get3A_484 = arith.index_cast %get3A_483 : i32 to index
      %get3A_485 = arith.constant 64 : index
      %get3A_486 = tpu.vector_load %arg6[%get3A_484, %get3A_485] {strides = array<i32>} : memref<16x128xf32, #tpu.memory_space<vmem>>, vector<16xf32>,
      %add3A_487 = arith.addf %add3A_482, %get3A_486 : vector<16xf32>
      %add3A_488 = arith.constant 64 : i32
      %add3A_489 = vector.broadcast %add3A_488 : i32 to vector<16xi32>
      %add3A_490 = arith.addi %add3A_489, %iota3A : vector<16xi32>
      tpu.vector_store_idx %arg7[%add3A_490, %broadcast_in_dim3A_66], %add3A_487 : memref<128x128xf32, #tpu.memory_space<vmem>>[vector<16xi32>, vector<16xi32>], vector<16xf32>,
      %get3A_491 = arith.constant 0 : i32
      %get3A_492 = arith.index_cast %get3A_491 : i32 to index
      %get3A_493 = arith.constant 80 : index
      %get3A_494 = tpu.vector_load %arg6[%get3A_492, %get3A_493] {strides = array<i32>} : memref<16x128xf32, #tpu.memory_space<vmem>>, vector<16xf32>,
      %get3A_495 = arith.constant 1 : i32
      %get3A_496 = arith.index_cast %get3A_495 : i32 to index
      %get3A_497 = arith.constant 80 : index
      %get3A_498 = tpu.vector_load %arg6[%get3A_496, %get3A_497] {strides = array<i32>} : memref<16x128xf32, #tpu.memory_space<vmem>>, vector<16xf32>,
      %add3A_499 = arith.addf %get3A_494, %get3A_498 : vector<16xf32>
      %get3A_500 = arith.constant 2 : i32
      %get3A_501 = arith.index_cast %get3A_500 : i32 to index
      %get3A_502 = arith.constant 80 : index
      %get3A_503 = tpu.vector_load %arg6[%get3A_501, %get3A_502] {strides = array<i32>} : memref<16x128xf32, #tpu.memory_space<vmem>>, vector<16xf32>,
      %add3A_504 = arith.addf %add3A_499, %get3A_503 : vector<16xf32>
      %get3A_505 = arith.constant 3 : i32
      %get3A_506 = arith.index_cast %get3A_505 : i32 to index
      %get3A_507 = arith.constant 80 : index
      %get3A_508 = tpu.vector_load %arg6[%get3A_506, %get3A_507] {strides = array<i32>} : memref<16x128xf32, #tpu.memory_space<vmem>>, vector<16xf32>,
      %add3A_509 = arith.addf %add3A_504, %get3A_508 : vector<16xf32>
      %get3A_510 = arith.constant 4 : i32
      %get3A_511 = arith.index_cast %get3A_510 : i32 to index
      %get3A_512 = arith.constant 80 : index
      %get3A_513 = tpu.vector_load %arg6[%get3A_511, %get3A_512] {strides = array<i32>} : memref<16x128xf32, #tpu.memory_space<vmem>>, vector<16xf32>,
      %add3A_514 = arith.addf %add3A_509, %get3A_513 : vector<16xf32>
      %get3A_515 = arith.constant 5 : i32
      %get3A_516 = arith.index_cast %get3A_515 : i32 to index
      %get3A_517 = arith.constant 80 : index
      %get3A_518 = tpu.vector_load %arg6[%get3A_516, %get3A_517] {strides = array<i32>} : memref<16x128xf32, #tpu.memory_space<vmem>>, vector<16xf32>,
      %add3A_519 = arith.addf %add3A_514, %get3A_518 : vector<16xf32>
      %get3A_520 = arith.constant 6 : i32
      %get3A_521 = arith.index_cast %get3A_520 : i32 to index
      %get3A_522 = arith.constant 80 : index
      %get3A_523 = tpu.vector_load %arg6[%get3A_521, %get3A_522] {strides = array<i32>} : memref<16x128xf32, #tpu.memory_space<vmem>>, vector<16xf32>,
      %add3A_524 = arith.addf %add3A_519, %get3A_523 : vector<16xf32>
      %get3A_525 = arith.constant 7 : i32
      %get3A_526 = arith.index_cast %get3A_525 : i32 to index
      %get3A_527 = arith.constant 80 : index
      %get3A_528 = tpu.vector_load %arg6[%get3A_526, %get3A_527] {strides = array<i32>} : memref<16x128xf32, #tpu.memory_space<vmem>>, vector<16xf32>,
      %add3A_529 = arith.addf %add3A_524, %get3A_528 : vector<16xf32>
      %get3A_530 = arith.constant 8 : i32
      %get3A_531 = arith.index_cast %get3A_530 : i32 to index
      %get3A_532 = arith.constant 80 : index
      %get3A_533 = tpu.vector_load %arg6[%get3A_531, %get3A_532] {strides = array<i32>} : memref<16x128xf32, #tpu.memory_space<vmem>>, vector<16xf32>,
      %add3A_534 = arith.addf %add3A_529, %get3A_533 : vector<16xf32>
      %get3A_535 = arith.constant 9 : i32
      %get3A_536 = arith.index_cast %get3A_535 : i32 to index
      %get3A_537 = arith.constant 80 : index
      %get3A_538 = tpu.vector_load %arg6[%get3A_536, %get3A_537] {strides = array<i32>} : memref<16x128xf32, #tpu.memory_space<vmem>>, vector<16xf32>,
      %add3A_539 = arith.addf %add3A_534, %get3A_538 : vector<16xf32>
      %get3A_540 = arith.constant 10 : i32
      %get3A_541 = arith.index_cast %get3A_540 : i32 to index
      %get3A_542 = arith.constant 80 : index
      %get3A_543 = tpu.vector_load %arg6[%get3A_541, %get3A_542] {strides = array<i32>} : memref<16x128xf32, #tpu.memory_space<vmem>>, vector<16xf32>,
      %add3A_544 = arith.addf %add3A_539, %get3A_543 : vector<16xf32>
      %get3A_545 = arith.constant 11 : i32
      %get3A_546 = arith.index_cast %get3A_545 : i32 to index
      %get3A_547 = arith.constant 80 : index
      %get3A_548 = tpu.vector_load %arg6[%get3A_546, %get3A_547] {strides = array<i32>} : memref<16x128xf32, #tpu.memory_space<vmem>>, vector<16xf32>,
      %add3A_549 = arith.addf %add3A_544, %get3A_548 : vector<16xf32>
      %get3A_550 = arith.constant 12 : i32
      %get3A_551 = arith.index_cast %get3A_550 : i32 to index
      %get3A_552 = arith.constant 80 : index
      %get3A_553 = tpu.vector_load %arg6[%get3A_551, %get3A_552] {strides = array<i32>} : memref<16x128xf32, #tpu.memory_space<vmem>>, vector<16xf32>,
      %add3A_554 = arith.addf %add3A_549, %get3A_553 : vector<16xf32>
      %get3A_555 = arith.constant 13 : i32
      %get3A_556 = arith.index_cast %get3A_555 : i32 to index
      %get3A_557 = arith.constant 80 : index
      %get3A_558 = tpu.vector_load %arg6[%get3A_556, %get3A_557] {strides = array<i32>} : memref<16x128xf32, #tpu.memory_space<vmem>>, vector<16xf32>,
      %add3A_559 = arith.addf %add3A_554, %get3A_558 : vector<16xf32>
      %get3A_560 = arith.constant 14 : i32
      %get3A_561 = arith.index_cast %get3A_560 : i32 to index
      %get3A_562 = arith.constant 80 : index
      %get3A_563 = tpu.vector_load %arg6[%get3A_561, %get3A_562] {strides = array<i32>} : memref<16x128xf32, #tpu.memory_space<vmem>>, vector<16xf32>,
      %add3A_564 = arith.addf %add3A_559, %get3A_563 : vector<16xf32>
      %get3A_565 = arith.constant 15 : i32
      %get3A_566 = arith.index_cast %get3A_565 : i32 to index
      %get3A_567 = arith.constant 80 : index
      %get3A_568 = tpu.vector_load %arg6[%get3A_566, %get3A_567] {strides = array<i32>} : memref<16x128xf32, #tpu.memory_space<vmem>>, vector<16xf32>,
      %add3A_569 = arith.addf %add3A_564, %get3A_568 : vector<16xf32>
      %add3A_570 = arith.constant 80 : i32
      %add3A_571 = vector.broadcast %add3A_570 : i32 to vector<16xi32>
      %add3A_572 = arith.addi %add3A_571, %iota3A : vector<16xi32>
      tpu.vector_store_idx %arg7[%add3A_572, %broadcast_in_dim3A_66], %add3A_569 : memref<128x128xf32, #tpu.memory_space<vmem>>[vector<16xi32>, vector<16xi32>], vector<16xf32>,
      %get3A_573 = arith.constant 0 : i32
      %get3A_574 = arith.index_cast %get3A_573 : i32 to index
      %get3A_575 = arith.constant 96 : index
      %get3A_576 = tpu.vector_load %arg6[%get3A_574, %get3A_575] {strides = array<i32>} : memref<16x128xf32, #tpu.memory_space<vmem>>, vector<16xf32>,
      %get3A_577 = arith.constant 1 : i32
      %get3A_578 = arith.index_cast %get3A_577 : i32 to index
      %get3A_579 = arith.constant 96 : index
      %get3A_580 = tpu.vector_load %arg6[%get3A_578, %get3A_579] {strides = array<i32>} : memref<16x128xf32, #tpu.memory_space<vmem>>, vector<16xf32>,
      %add3A_581 = arith.addf %get3A_576, %get3A_580 : vector<16xf32>
      %get3A_582 = arith.constant 2 : i32
      %get3A_583 = arith.index_cast %get3A_582 : i32 to index
      %get3A_584 = arith.constant 96 : index
      %get3A_585 = tpu.vector_load %arg6[%get3A_583, %get3A_584] {strides = array<i32>} : memref<16x128xf32, #tpu.memory_space<vmem>>, vector<16xf32>,
      %add3A_586 = arith.addf %add3A_581, %get3A_585 : vector<16xf32>
      %get3A_587 = arith.constant 3 : i32
      %get3A_588 = arith.index_cast %get3A_587 : i32 to index
      %get3A_589 = arith.constant 96 : index
      %get3A_590 = tpu.vector_load %arg6[%get3A_588, %get3A_589] {strides = array<i32>} : memref<16x128xf32, #tpu.memory_space<vmem>>, vector<16xf32>,
      %add3A_591 = arith.addf %add3A_586, %get3A_590 : vector<16xf32>
      %get3A_592 = arith.constant 4 : i32
      %get3A_593 = arith.index_cast %get3A_592 : i32 to index
      %get3A_594 = arith.constant 96 : index
      %get3A_595 = tpu.vector_load %arg6[%get3A_593, %get3A_594] {strides = array<i32>} : memref<16x128xf32, #tpu.memory_space<vmem>>, vector<16xf32>,
      %add3A_596 = arith.addf %add3A_591, %get3A_595 : vector<16xf32>
      %get3A_597 = arith.constant 5 : i32
      %get3A_598 = arith.index_cast %get3A_597 : i32 to index
      %get3A_599 = arith.constant 96 : index
      %get3A_600 = tpu.vector_load %arg6[%get3A_598, %get3A_599] {strides = array<i32>} : memref<16x128xf32, #tpu.memory_space<vmem>>, vector<16xf32>,
      %add3A_601 = arith.addf %add3A_596, %get3A_600 : vector<16xf32>
      %get3A_602 = arith.constant 6 : i32
      %get3A_603 = arith.index_cast %get3A_602 : i32 to index
      %get3A_604 = arith.constant 96 : index
      %get3A_605 = tpu.vector_load %arg6[%get3A_603, %get3A_604] {strides = array<i32>} : memref<16x128xf32, #tpu.memory_space<vmem>>, vector<16xf32>,
      %add3A_606 = arith.addf %add3A_601, %get3A_605 : vector<16xf32>
      %get3A_607 = arith.constant 7 : i32
      %get3A_608 = arith.index_cast %get3A_607 : i32 to index
      %get3A_609 = arith.constant 96 : index
      %get3A_610 = tpu.vector_load %arg6[%get3A_608, %get3A_609] {strides = array<i32>} : memref<16x128xf32, #tpu.memory_space<vmem>>, vector<16xf32>,
      %add3A_611 = arith.addf %add3A_606, %get3A_610 : vector<16xf32>
      %get3A_612 = arith.constant 8 : i32
      %get3A_613 = arith.index_cast %get3A_612 : i32 to index
      %get3A_614 = arith.constant 96 : index
      %get3A_615 = tpu.vector_load %arg6[%get3A_613, %get3A_614] {strides = array<i32>} : memref<16x128xf32, #tpu.memory_space<vmem>>, vector<16xf32>,
      %add3A_616 = arith.addf %add3A_611, %get3A_615 : vector<16xf32>
      %get3A_617 = arith.constant 9 : i32
      %get3A_618 = arith.index_cast %get3A_617 : i32 to index
      %get3A_619 = arith.constant 96 : index
      %get3A_620 = tpu.vector_load %arg6[%get3A_618, %get3A_619] {strides = array<i32>} : memref<16x128xf32, #tpu.memory_space<vmem>>, vector<16xf32>,
      %add3A_621 = arith.addf %add3A_616, %get3A_620 : vector<16xf32>
      %get3A_622 = arith.constant 10 : i32
      %get3A_623 = arith.index_cast %get3A_622 : i32 to index
      %get3A_624 = arith.constant 96 : index
      %get3A_625 = tpu.vector_load %arg6[%get3A_623, %get3A_624] {strides = array<i32>} : memref<16x128xf32, #tpu.memory_space<vmem>>, vector<16xf32>,
      %add3A_626 = arith.addf %add3A_621, %get3A_625 : vector<16xf32>
      %get3A_627 = arith.constant 11 : i32
      %get3A_628 = arith.index_cast %get3A_627 : i32 to index
      %get3A_629 = arith.constant 96 : index
      %get3A_630 = tpu.vector_load %arg6[%get3A_628, %get3A_629] {strides = array<i32>} : memref<16x128xf32, #tpu.memory_space<vmem>>, vector<16xf32>,
      %add3A_631 = arith.addf %add3A_626, %get3A_630 : vector<16xf32>
      %get3A_632 = arith.constant 12 : i32
      %get3A_633 = arith.index_cast %get3A_632 : i32 to index
      %get3A_634 = arith.constant 96 : index
      %get3A_635 = tpu.vector_load %arg6[%get3A_633, %get3A_634] {strides = array<i32>} : memref<16x128xf32, #tpu.memory_space<vmem>>, vector<16xf32>,
      %add3A_636 = arith.addf %add3A_631, %get3A_635 : vector<16xf32>
      %get3A_637 = arith.constant 13 : i32
      %get3A_638 = arith.index_cast %get3A_637 : i32 to index
      %get3A_639 = arith.constant 96 : index
      %get3A_640 = tpu.vector_load %arg6[%get3A_638, %get3A_639] {strides = array<i32>} : memref<16x128xf32, #tpu.memory_space<vmem>>, vector<16xf32>,
      %add3A_641 = arith.addf %add3A_636, %get3A_640 : vector<16xf32>
      %get3A_642 = arith.constant 14 : i32
      %get3A_643 = arith.index_cast %get3A_642 : i32 to index
      %get3A_644 = arith.constant 96 : index
      %get3A_645 = tpu.vector_load %arg6[%get3A_643, %get3A_644] {strides = array<i32>} : memref<16x128xf32, #tpu.memory_space<vmem>>, vector<16xf32>,
      %add3A_646 = arith.addf %add3A_641, %get3A_645 : vector<16xf32>
      %get3A_647 = arith.constant 15 : i32
      %get3A_648 = arith.index_cast %get3A_647 : i32 to index
      %get3A_649 = arith.constant 96 : index
      %get3A_650 = tpu.vector_load %arg6[%get3A_648, %get3A_649] {strides = array<i32>} : memref<16x128xf32, #tpu.memory_space<vmem>>, vector<16xf32>,
      %add3A_651 = arith.addf %add3A_646, %get3A_650 : vector<16xf32>
      %add3A_652 = arith.constant 96 : i32
      %add3A_653 = vector.broadcast %add3A_652 : i32 to vector<16xi32>
      %add3A_654 = arith.addi %add3A_653, %iota3A : vector<16xi32>
      tpu.vector_store_idx %arg7[%add3A_654, %broadcast_in_dim3A_66], %add3A_651 : memref<128x128xf32, #tpu.memory_space<vmem>>[vector<16xi32>, vector<16xi32>], vector<16xf32>,
      %get3A_655 = arith.constant 0 : i32
      %get3A_656 = arith.index_cast %get3A_655 : i32 to index
      %get3A_657 = arith.constant 112 : index
      %get3A_658 = tpu.vector_load %arg6[%get3A_656, %get3A_657] {strides = array<i32>} : memref<16x128xf32, #tpu.memory_space<vmem>>, vector<16xf32>,
      %get3A_659 = arith.constant 1 : i32
      %get3A_660 = arith.index_cast %get3A_659 : i32 to index
      %get3A_661 = arith.constant 112 : index
      %get3A_662 = tpu.vector_load %arg6[%get3A_660, %get3A_661] {strides = array<i32>} : memref<16x128xf32, #tpu.memory_space<vmem>>, vector<16xf32>,
      %add3A_663 = arith.addf %get3A_658, %get3A_662 : vector<16xf32>
      %get3A_664 = arith.constant 2 : i32
      %get3A_665 = arith.index_cast %get3A_664 : i32 to index
      %get3A_666 = arith.constant 112 : index
      %get3A_667 = tpu.vector_load %arg6[%get3A_665, %get3A_666] {strides = array<i32>} : memref<16x128xf32, #tpu.memory_space<vmem>>, vector<16xf32>,
      %add3A_668 = arith.addf %add3A_663, %get3A_667 : vector<16xf32>
      %get3A_669 = arith.constant 3 : i32
      %get3A_670 = arith.index_cast %get3A_669 : i32 to index
      %get3A_671 = arith.constant 112 : index
      %get3A_672 = tpu.vector_load %arg6[%get3A_670, %get3A_671] {strides = array<i32>} : memref<16x128xf32, #tpu.memory_space<vmem>>, vector<16xf32>,
      %add3A_673 = arith.addf %add3A_668, %get3A_672 : vector<16xf32>
      %get3A_674 = arith.constant 4 : i32
      %get3A_675 = arith.index_cast %get3A_674 : i32 to index
      %get3A_676 = arith.constant 112 : index
      %get3A_677 = tpu.vector_load %arg6[%get3A_675, %get3A_676] {strides = array<i32>} : memref<16x128xf32, #tpu.memory_space<vmem>>, vector<16xf32>,
      %add3A_678 = arith.addf %add3A_673, %get3A_677 : vector<16xf32>
      %get3A_679 = arith.constant 5 : i32
      %get3A_680 = arith.index_cast %get3A_679 : i32 to index
      %get3A_681 = arith.constant 112 : index
      %get3A_682 = tpu.vector_load %arg6[%get3A_680, %get3A_681] {strides = array<i32>} : memref<16x128xf32, #tpu.memory_space<vmem>>, vector<16xf32>,
      %add3A_683 = arith.addf %add3A_678, %get3A_682 : vector<16xf32>
      %get3A_684 = arith.constant 6 : i32
      %get3A_685 = arith.index_cast %get3A_684 : i32 to index
      %get3A_686 = arith.constant 112 : index
      %get3A_687 = tpu.vector_load %arg6[%get3A_685, %get3A_686] {strides = array<i32>} : memref<16x128xf32, #tpu.memory_space<vmem>>, vector<16xf32>,
      %add3A_688 = arith.addf %add3A_683, %get3A_687 : vector<16xf32>
      %get3A_689 = arith.constant 7 : i32
      %get3A_690 = arith.index_cast %get3A_689 : i32 to index
      %get3A_691 = arith.constant 112 : index
      %get3A_692 = tpu.vector_load %arg6[%get3A_690, %get3A_691] {strides = array<i32>} : memref<16x128xf32, #tpu.memory_space<vmem>>, vector<16xf32>,
      %add3A_693 = arith.addf %add3A_688, %get3A_692 : vector<16xf32>
      %get3A_694 = arith.constant 8 : i32
      %get3A_695 = arith.index_cast %get3A_694 : i32 to index
      %get3A_696 = arith.constant 112 : index
      %get3A_697 = tpu.vector_load %arg6[%get3A_695, %get3A_696] {strides = array<i32>} : memref<16x128xf32, #tpu.memory_space<vmem>>, vector<16xf32>,
      %add3A_698 = arith.addf %add3A_693, %get3A_697 : vector<16xf32>
      %get3A_699 = arith.constant 9 : i32
      %get3A_700 = arith.index_cast %get3A_699 : i32 to index
      %get3A_701 = arith.constant 112 : index
      %get3A_702 = tpu.vector_load %arg6[%get3A_700, %get3A_701] {strides = array<i32>} : memref<16x128xf32, #tpu.memory_space<vmem>>, vector<16xf32>,
      %add3A_703 = arith.addf %add3A_698, %get3A_702 : vector<16xf32>
      %get3A_704 = arith.constant 10 : i32
      %get3A_705 = arith.index_cast %get3A_704 : i32 to index
      %get3A_706 = arith.constant 112 : index
      %get3A_707 = tpu.vector_load %arg6[%get3A_705, %get3A_706] {strides = array<i32>} : memref<16x128xf32, #tpu.memory_space<vmem>>, vector<16xf32>,
      %add3A_708 = arith.addf %add3A_703, %get3A_707 : vector<16xf32>
      %get3A_709 = arith.constant 11 : i32
      %get3A_710 = arith.index_cast %get3A_709 : i32 to index
      %get3A_711 = arith.constant 112 : index
      %get3A_712 = tpu.vector_load %arg6[%get3A_710, %get3A_711] {strides = array<i32>} : memref<16x128xf32, #tpu.memory_space<vmem>>, vector<16xf32>,
      %add3A_713 = arith.addf %add3A_708, %get3A_712 : vector<16xf32>
      %get3A_714 = arith.constant 12 : i32
      %get3A_715 = arith.index_cast %get3A_714 : i32 to index
      %get3A_716 = arith.constant 112 : index
      %get3A_717 = tpu.vector_load %arg6[%get3A_715, %get3A_716] {strides = array<i32>} : memref<16x128xf32, #tpu.memory_space<vmem>>, vector<16xf32>,
      %add3A_718 = arith.addf %add3A_713, %get3A_717 : vector<16xf32>
      %get3A_719 = arith.constant 13 : i32
      %get3A_720 = arith.index_cast %get3A_719 : i32 to index
      %get3A_721 = arith.constant 112 : index
      %get3A_722 = tpu.vector_load %arg6[%get3A_720, %get3A_721] {strides = array<i32>} : memref<16x128xf32, #tpu.memory_space<vmem>>, vector<16xf32>,
      %add3A_723 = arith.addf %add3A_718, %get3A_722 : vector<16xf32>
      %get3A_724 = arith.constant 14 : i32
      %get3A_725 = arith.index_cast %get3A_724 : i32 to index
      %get3A_726 = arith.constant 112 : index
      %get3A_727 = tpu.vector_load %arg6[%get3A_725, %get3A_726] {strides = array<i32>} : memref<16x128xf32, #tpu.memory_space<vmem>>, vector<16xf32>,
      %add3A_728 = arith.addf %add3A_723, %get3A_727 : vector<16xf32>
      %get3A_729 = arith.constant 15 : i32
      %get3A_730 = arith.index_cast %get3A_729 : i32 to index
      %get3A_731 = arith.constant 112 : index
      %get3A_732 = tpu.vector_load %arg6[%get3A_730, %get3A_731] {strides = array<i32>} : memref<16x128xf32, #tpu.memory_space<vmem>>, vector<16xf32>,
      %add3A_733 = arith.addf %add3A_728, %get3A_732 : vector<16xf32>
      %add3A_734 = arith.constant 112 : i32
      %add3A_735 = vector.broadcast %add3A_734 : i32 to vector<16xi32>
      %add3A_736 = arith.addi %add3A_735, %iota3A : vector<16xi32>
      tpu.vector_store_idx %arg7[%add3A_736, %broadcast_in_dim3A_66], %add3A_733 : memref<128x128xf32, #tpu.memory_space<vmem>>[vector<16xi32>, vector<16xi32>], vector<16xf32>,
      %mul3A_737 = arith.constant 128 : i32
      %mul3A_738 = arith.muli %add3A_79, %mul3A_737 : i32
      "tpu.region"() ({
        %run_scoped3A = tpu.sem_alloc : memref<!tpu.dma_semaphore, #tpu.memory_space<semaphore_mem>>
        %dma_start3A_739 = arith.constant 0 : i32
        %dma_start3A_740 = tpu.memref_slice %arg3[%arg0, %mul3A_738, %dma_start3A_739] : memref<2x10240x128xf32, #tpu.memory_space<hbm>> -> memref<1x128x128xf32, #tpu.memory_space<hbm>>
        %dma_start3A_741 = tpu.memref_squeeze %dma_start3A_740 : memref<1x128x128xf32, #tpu.memory_space<hbm>> -> memref<128x128xf32, #tpu.memory_space<hbm>>
        %dma_start3A_742 = arith.constant 0 : i32
        %dma_start3A_743 = tpu.memref_slice %arg3[%arg0, %mul3A_738, %dma_start3A_742] : memref<2x10240x128xf32, #tpu.memory_space<hbm>> -> memref<1x128x128xf32, #tpu.memory_space<hbm>>
        %dma_start3A_744 = tpu.memref_squeeze %dma_start3A_743 : memref<1x128x128xf32, #tpu.memory_space<hbm>> -> memref<128x128xf32, #tpu.memory_space<hbm>>
        tpu.enqueue_dma source(%arg7 : memref<128x128xf32, #tpu.memory_space<vmem>>) target(%dma_start3A_744 : memref<128x128xf32, #tpu.memory_space<hbm>>) target_semaphore(%run_scoped3A : memref<!tpu.dma_semaphore, #tpu.memory_space<semaphore_mem>>)
        %dma_wait3A_745 = arith.constant 0 : i32
        %dma_wait3A_746 = tpu.memref_slice %arg3[%arg0, %mul3A_738, %dma_wait3A_745] : memref<2x10240x128xf32, #tpu.memory_space<hbm>> -> memref<1x128x128xf32, #tpu.memory_space<hbm>>
        %dma_wait3A_747 = tpu.memref_squeeze %dma_wait3A_746 : memref<1x128x128xf32, #tpu.memory_space<hbm>> -> memref<128x128xf32, #tpu.memory_space<hbm>>
        %dma_wait3A_748 = arith.constant 0 : i32
        %dma_wait3A_749 = tpu.memref_slice %arg3[%arg0, %mul3A_738, %dma_wait3A_748] : memref<2x10240x128xf32, #tpu.memory_space<hbm>> -> memref<1x128x128xf32, #tpu.memory_space<hbm>>
        %dma_wait3A_750 = tpu.memref_squeeze %dma_wait3A_749 : memref<1x128x128xf32, #tpu.memory_space<hbm>> -> memref<128x128xf32, #tpu.memory_space<hbm>>
        tpu.wait_dma2 semaphore(%run_scoped3A : memref<!tpu.dma_semaphore, #tpu.memory_space<semaphore_mem>>) src(%arg7 : memref<128x128xf32, #tpu.memory_space<vmem>>) dst(%dma_wait3A_750 : memref<128x128xf32, #tpu.memory_space<hbm>>)
        tpu.yield
      }) : () -> ()
    }
    %scan3A_71 = arith.constant 5 : i32
    return
  }
}

</mosaic_0001>

<sc_bundles>
// kernel: _sc_degree.3.cloned.1.call-start
scs
__scs_entry_jumppad:
0x0: {  	(pc) =	sbr.rel $0x88, $3  }
0x1: {  	(tag) =	ssettag $0x0;
	lr =	simm.s32 $0x1  }
0x2: {  	[smem:$0x3FA0] =	sst lr;
	_ =	strace $0xD0000000  }
0x3: {  	_ = 	snop  }
0x4: {  	_ = 	snop  }
0x5: {  	_ = 	snop  }
0x6: {  	_ = 	snop  }
0x7: {  	_ = 	snop  }
__scs_overlays_trampoline_lowered:
0x8: {  	[smem:$0x3FAF] =	sst s0  }
0x9: {  	[smem:$0x3FB0] =	sst s1  }
0xa: {  	[smem:$0x3FB1] =	sst s2  }
0xb: {  	[smem:$0x3FB2] =	sst s3  }
0xc: {  	[smem:$0x3FB3] =	sst s4  }
0xd: {  	[smem:$0x3FB4] =	sst s5  }
0xe: {  	[smem:$0x3FB5] =	sst s6  }
0xf: {  	[smem:$0x3FB6] =	sst s7  }
0x10: {  	[smem:$0x3FB7] =	sst s8  }
0x11: {  	[smem:$0x3FB8] =	sst s9;
	s0 =	simm.s32 @!p0 $0x0  }
0x12: {  	s1 =	sld [smem:$0x3F9E];
	s0 =	simm.s32 @p0 $0x1  }
0x13: {  	[smem:$0x3FB9] =	sst s0;
	s0 =	simm.s32 @!p1 $0x0  }
0x14: {  	s2 =	sld [smem:$0x3F9D];
	s0 =	simm.s32 @p1 $0x1  }
0x15: {  	[smem:$0x3FBA] =	sst s0;
	s0 =	simm.s32 @!p2 $0x0  }
0x16: {  	s3 =	sld [smem:$0x3FDB];
	s0 =	simm.s32 @p2 $0x1  }
0x17: {  	s4 =	simm.s32 $0x1BF5;
	[smem:$0x3FBC] =	sst s0  }
0x18: {  	s0 =	sld [smem:$0x3F9F];
	_ =	swait.ge [sflag:s4], $0x0  }
0x19: {  	s7 =	sld [smem:$0x3FA0]  }
0x1a: {  	s8 =	sadd.s32 $0xFFFFE003, lr  }
0x1b: {  	s9 =	sadd.s32 $0xFFFFFEF7, lr;
	s5 =	simm.s32 $0xFFFFFFFF;
	p2 =	slt.u32 s8, $0xFFFFF086  }
0x1c: {  	p1 =	slt.u32 s9, $0xF7A;
	s5 =	simm.s32 @!p2 $0x0  }
0x1d: {  	s5 =	simm.s32 @p1 $0x1;
	p0 =	seq.s32 s7, s2  }
0x1e: {  	s7 =	smul.u32 @!p0 $0xF7A, s2;
	p2 =	seq.s32 @!p0 s5, $0x0  }
0x1f: {  	s9 =	smul.u32 $0xF7A, s1;
	s8 =	simm.s32 @!p0 $0x1BF5;
	p2 =	por !p2, p0  }
0x20: {  	[sflag:s8] =	ssyncset.s32 @!p0 $0xFFFFF086;
	s6 =	sadd.s32 @!p0 s3, s7;
	s7 =	simm.s32 @!p0 $0x108  }
0x21: {  	s3 =	sadd.s32 s3, s9;
	s6 =	sadd.s32 @!p0 $0x88, s6;
	s7 =	simm.s32 @p2 $0x1082  }
0x22: {  	[simem:s7], [sflag:s8] =	dma.local @!p0 [hbm:s6], $0xF7A  }
0x23: {  	s9 =	sor.u32 $0xD0000000, s2;
	s6 =	simm.s32 $0x108;
	_ =	swait.ge @!p0 [sflag:s8], $0x0  }
0x24: {  	s3 =	sadd.s32 $0x88, s3;
	s6 =	simm.s32 @!p1 $0x1082;
	[sflag:s4] =	ssyncset.s32 $0xFFFFF086  }
0x25: {  	[simem:s6], [sflag:s4] =	dma.local [hbm:s3], $0xF7A  }
0x26: {  	[smem:$0x3FA0] =	sst s1;
	(tag) =	ssettag s2;
	_ =	strace s9  }
0x27: {  	s1 =	sld [smem:$0x3FB0]  }
0x28: {  	s2 =	sld [smem:$0x3FB1]  }
0x29: {  	s4 =	sld [smem:$0x3FB3]  }
0x2a: {  	p0 =	seq.s32 s5, $0x0;
	s5 =	sld [smem:$0x3FB4]  }
0x2b: {  	s6 =	sld [smem:$0x3FB5]  }
0x2c: {  	s7 =	sld [smem:$0x3FB6]  }
0x2d: {  	s3 =	simm.s32 $0x108;
	s8 =	sld [smem:$0x3FB7]  }
0x2e: {  	s3 =	simm.s32 @!p0 $0x1082;
	s9 =	sld [smem:$0x3FB8]  }
0x2f: {  	lr =	sadd.s32 s0, s3;
	s0 =	sld [smem:$0x3FAF]  }
0x30: {  	s3 =	sld [smem:$0x3FB2]  }
0x31: {  	[smem:$0x3FBB] =	sst s10  }
0x32: {  	s10 =	sld [smem:$0x3FB9];
	_ =	sdelay $0x3  }
0x33: {  	p0 =	seq.s32 s10, $0x1;
	s10 =	sld [smem:$0x3FBB];
	_ =	sdelay $0x3  }
0x34: {  	[smem:$0x3FBB] =	sst s10  }
0x35: {  	s10 =	sld [smem:$0x3FBA];
	_ =	sdelay $0x3  }
0x36: {  	p1 =	seq.s32 s10, $0x1;
	s10 =	sld [smem:$0x3FBB];
	_ =	sdelay $0x3  }
0x37: {  	[smem:$0x3FBB] =	sst s10  }
0x38: {  	s10 =	sld [smem:$0x3FBC]  }
0x39: {  	_ = 	snop;
	(pc) =	sbr.ind lr, $3  }
0x3a: {  	_ = 	snop  }
0x3b: {  	_ = 	snop  }
0x3c: {  	p2 =	seq.s32 s10, $0x1;
	s10 =	sld [smem:$0x3FBB]  }
0x3d: {  	_ =	shalt  }
0x3e: {  	_ =	shalt  }
0x3f: {  	_ =	shalt  }
0x40: {  	_ =	shalt  }
0x41: {  	_ =	shalt  }
0x42: {  	_ =	shalt  }
0x43: {  	_ =	shalt  }
0x44: {  	_ =	shalt  }
0x45: {  	_ =	shalt  }
0x46: {  	_ =	shalt  }
0x47: {  	_ =	shalt  }
0x48: {  	_ =	shalt  }
0x49: {  	_ =	shalt  }
0x4a: {  	_ =	shalt  }
0x4b: {  	_ =	shalt  }
0x4c: {  	_ =	shalt  }
0x4d: {  	_ =	shalt  }
0x4e: {  	_ =	shalt  }
0x4f: {  	_ =	shalt  }
0x50: {  	_ =	shalt  }
0x51: {  	_ =	shalt  }
0x52: {  	_ =	shalt  }
0x53: {  	_ =	shalt  }
0x54: {  	_ =	shalt  }
0x55: {  	_ =	shalt  }
0x56: {  	_ =	shalt  }
0x57: {  	_ =	shalt  }
0x58: {  	_ =	shalt  }
0x59: {  	_ =	shalt  }
0x5a: {  	_ =	shalt  }
0x5b: {  	_ =	shalt  }
0x5c: {  	_ =	shalt  }
0x5d: {  	_ =	shalt  }
0x5e: {  	_ =	shalt  }
0x5f: {  	_ =	shalt  }
0x60: {  	_ =	shalt  }
0x61: {  	_ =	shalt  }
0x62: {  	_ =	shalt  }
0x63: {  	_ =	shalt  }
0x64: {  	_ =	shalt  }
0x65: {  	_ =	shalt  }
0x66: {  	_ =	shalt  }
0x67: {  	_ =	shalt  }
0x68: {  	_ =	shalt  }
0x69: {  	_ =	shalt  }
0x6a: {  	_ =	shalt  }
0x6b: {  	_ =	shalt  }
0x6c: {  	_ =	shalt  }
0x6d: {  	_ =	shalt  }
0x6e: {  	_ =	shalt  }
0x6f: {  	_ =	shalt  }
0x70: {  	_ =	shalt  }
0x71: {  	_ =	shalt  }
0x72: {  	_ =	shalt  }
0x73: {  	_ =	shalt  }
0x74: {  	_ =	shalt  }
0x75: {  	_ =	shalt  }
0x76: {  	_ =	shalt  }
0x77: {  	_ =	shalt  }
0x78: {  	_ =	shalt  }
0x79: {  	_ =	shalt  }
0x7a: {  	_ =	shalt  }
0x7b: {  	_ =	shalt  }
0x7c: {  	_ =	shalt  }
0x7d: {  	_ =	shalt  }
0x7e: {  	_ =	shalt  }
0x7f: {  	_ =	shalt  }
0x80: {  	_ =	shalt  }
0x81: {  	_ =	shalt  }
0x82: {  	_ =	shalt  }
0x83: {  	_ =	shalt  }
0x84: {  	_ =	shalt  }
0x85: {  	_ =	shalt  }
0x86: {  	_ =	shalt  }
0x87: {  	_ =	shalt  }
.Lfunc_end0:
.L_simem_size_0:
called_computation_lowered:
.L_overlay_start_0:
0x88: {  	s2 =	sld [smem:$0x3FD9]  }
0x89: {  	s3 =	sld [smem:$0x3FFE];
	_ =	sdelay $0x1  }
0x8a: {  	s1 =	srdreg.scid  }
0x8b: {  	s0 =	sand.u32 $0x1, s1  }
0x8c: {  	s18 =	sshll.u32 s0, $0xA;
	s2 =	sadd.s32 s3, s2  }
0x8d: {  	s2 =	sadd.s32 s2, s18  }
0x8e: {  	[smem:$0x3FC7] =	sst s2  }
0x8f: {  	_ = 	snop  }
0x90: {  	s2 =	sld [smem:$0x3FC9]  }
0x91: {  	s19 =	sld [smem:$0x3FD0];
	(tm) =	ssettm $0x1  }
0x92: {  	s4 =	sld [smem:$0x3FFB];
	_ =	sdelay $0x3  }
0x93: {  	_ =	strace s4  }
0x94: {  	s4 =	sld [smem:$0x3FFC];
	_ =	sdelay $0x3  }
0x95: {  	_ =	strace s4  }
0x96: {  	s4 =	sld [smem:$0x3FFD];
	_ =	sdelay $0x3  }
0x97: {  	_ =	strace s4  }
0x98: {  	_ =	strace $0x8FFFFFFF  }
0x99: {  	s20 =	sld [smem:$0x3FDB];
	_ =	sdelay $0x1  }
0x9a: {  	s5 =	simm.s32 $_scs_section_size  }
0x9b: {  	s6 =	simm.s32 $_size__tile_overlayer_lowered;
	s7 =	simm.s32 $_tile_overlayer_lowered  }
0x9c: {  	s23 =	simm.s32 $0x1BFF;
	s22 =	sshll.u32 s7, $0x1;
	s4 =	sadd.s32 s5, s20  }
0x9d: {  	s8 =	simm.s32 $0x0;
	s21 =	sshll.u32 s6, $0x1;
	s6 =	sadd.s32 s22, s4  }
0x9e: {  	[timem:s8], [sflag:s23] =	dma.local [hbm:s6], s21  }
0x9f: {  	_ =	swait.ge [sflag:s23], s21  }
0xa0: {  	s5 =	ssub.s32 $0x0, s21;
	[sflag:s23] =	ssyncset.done $0x0  }
0xa1: {  	[sflag:s23] =	ssyncadd.s32 s5;
	_ =	sdelay $0x1  }
0xa2: {  	s24 =	simm.s32 $0x1B8B  }
0xa3: {  	_ =	swait.ge [sflag:s24], $0x1  }
0xa4: {  	[sflag:s24] =	ssyncset.done $0x0  }
0xa5: {  	s25 =	simm.s32 $0x1B8E;
	[sflag:s24] =	ssyncadd.s32 $0xFFFFFFFF  }
0xa6: {  	s26 =	simm.s32 $execute0_lowered;
	[smem:$0x3FD2] =	sst s25  }
0xa7: {  	s5 =	sshll.u32 s26, $0x1;
	_ =	strace $0x80000046;
	[dreg:$0x1] =	wrdreg $0xFFFFFFFF  }
0xa8: {  	s28 =	simm.s32 $_size_execute0_lowered;
	s4 =	sadd.s32 s4, s5;
	[dreg:$0x0] =	wrdreg $0x0  }
0xa9: {  	s5 =	sshll.u32 s28, $0x1;
	[dreg:$0x2] =	wrdreg s4  }
0xaa: {  	[dreg:$0x3] =	wrdreg s5  }
0xab: {  	[dreg:$0x4] =	wrdreg $0xC0  }
0xac: {  	_ =	task [dreg:s8], $0x5FFFF  }
0xad: {  	[dreg:$0x1] =	wrdreg $0xFFFFFFFF  }
0xae: {  	[dreg:$0x0] =	wrdreg $0x60  }
0xaf: {  	[dreg:$0x2] =	wrdreg s2  }
0xb0: {  	[dreg:$0x3] =	wrdreg s19  }
0xb1: {  	[dreg:$0x4] =	wrdreg $0x9C000  }
0xb2: {  	[dreg:$0x5] =	wrdreg $0x9  }
0xb3: {  	_ =	task.clear_ibuf [dreg:s8], $0x6FFFF;
	_ =	strace $0x90000046  }
0xb4: {  	s29 =	simm.s32 $0x9;
	_ =	strace $0x80000048  }
0xb5: {  	_ =	swait.ge [sflag:s29], $0x1  }
0xb6: {  	[sflag:s29] =	ssyncadd.s32 $0xFFFFFFFF  }
0xb7: {  	_ =	strace $0x90000048  }
0xb8: {  	_ =	sfence  }
0xb9: {  	s30 =	sld [smem:$0x0];
	_ =	sdelay $0x2  }
0xba: {  	s31 =	sshll.u32 s1, $0xD;
	s1 =	sshrl.u32 s1, $0x2  }
0xbb: {  	s3 =	sand.u32 $0x4000, s31;
	s1 =	sadd.s32 s1, s30  }
0xbc: {  	s0 =	sor.u32 s3, s0;
	s1 =	sshll.u32 s1, $0x11  }
0xbd: {  	s0 =	sor.u32 s1, s0  }
0xbe: {  	s0 =	sadd.s32 $0x8F2B, s0  }
0xbf: {  	[sflag:s0] =	ssyncadd.remote.s32 $0x1  }
0xc0: {  	_ =	sfence.sel $0xFFFF  }
0xc1: {  	[dreg:$0x0] =	wrdreg $0xFFFFFFFF;
	(pc) =	sbr.abs _section_cstart, $3  }
0xc2: {  	[dreg:$0x1] =	wrdreg $0xFFFFFFFF  }
0xc3: {  	_ =	task.clear_ibuf [dreg:s8], $0x2FFFF;
	_ =	strace $0x9FFFFFFF  }
0xc4: {  	(tm) =	ssettm $0x7FFFFFFF  }
0xc5: {  	_ =	shalt  }
tec
execute0_lowered:
.L_overlay_start_1:
0x0: {  	(tag) =	ssettag $0x1  }
0x1: {  	s4 =	rddreg [dreg:$0x0]  }
0x2: {  	s8 =	rddreg [dreg:$0x1]  }
0x3: {  	s9 =	rddreg [dreg:$0x2]  }
0x4: {  	s2 =	srdreg.scid;
	s1 =	stileid.u32  }
0x5: {  	s0 =	rddreg [dreg:$0x3];
	s14 =	simm.s32 $0x2;
	s15 =	simm.s32 $0x14000  }
0x6: {  	s16 =	simm.s32 $0x5400;
	s17 =	simm.s32 $0x5C00;
	s3 =	smul.u32 $0x4E, s1  }
0x7: {  	s18 =	simm.s32 $0x0;
	s5 =	sand.u32 $0x1, s2;
	s12 =	smul.u32 $0x14000, s1  }
0x8: {  	s2 =	simm.s32 $0x0;
	s6 =	smin.u32 s1, $0x2;
	s13 =	smul.u32 $0x5000, s1  }
0x9: {  	p0 =	slt.u32 s1, $0x2;
	s11 =	sshrl.u32 s1, $0x3;
	s7 =	smul.u32 $0x4E2, s5  }
0xa: {  	s29 =	sshll.u32 s1, $0x7;
	[smem:$0x7FF] =	sst s2;
	s26 =	smul.u32 $0x50000, s11  }
0xb: {  	s10 =	ssub.s32 $0x2, s5;
	s28 =	smul.u32 $0x140000, s5;
	s5 =	sand.u32 $0x380, s29  }
0xc: {  	s11 =	simm.s32 $0x2C00;
	s3 =	sadd.s32 s6, s3;
	_ =	strace $0x80000047  }
0xd: {  	s24 =	sshrl.u32 s10, $0x1;
	s31 =	sshrl.u32 s13, $0x2;
	s13 =	simm.s32 $0x400  }
0xe: {  	s7 =	sadd.s32 s7, s3;
	s6 =	ssub.s32 s10, s24;
	s3 =	simm.s32 $0x4F  }
0xf: {  	v0 =	vlaneseq.u32;
	s30 =	sadd.s32 s12, s28;
	s12 =	simm.s32 $0x80;
	s25 =	sshll.u32 s7, $0x4  }
0x10: {  	v0 =	vmul.u32 $0x80, v0;
	s3 =	simm.s32 @!p0 $0x4E;
	s7 =	sand.u32 $0x7, s7;
	s10 =	sand.u32 $0x1FF80, s25  }
0x11: {  	s7 =	sshll.u32 s7, $0x7;
	s4 =	sadd.s32 s10, s4;
	s10 =	sshrl.u32 s26, $0x2  }
0x12: {  	v1 =	vimm.f32 $0.0e+00;
	v2 =	vimm.f32 $1.000000000e+00;
	v3 =	vor.u32 $0x800, v0;
	s6 =	smax.u32 s6, $0x1;
	s7 =	sor.u32 $0x40, s7;
	s10 =	sadd.s32 s10, s9  }
0x13: {  	v4 =	vor.u32 $0x1000, v0;
	v5 =	vor.u32 $0x1800, v0;
	v6 =	vor.u32 $0x2000, v0;
	s4 =	sadd.s32 $0xA000, s4;
	s5 =	sadd.s32 s5, s10;
	s10 =	sshrl.u32 s30, $0x3  }
0x14: {  	v7 =	vor.u32 $0x2800, v0;
	v8 =	vor.u32 $0x3000, v0;
	v9 =	vor.u32 $0x3800, v0;
	s9 =	sadd.s32 s31, s9;
	s8 =	sadd.s32 s10, s8;
	s10 =	simm.s32 $0x1  }
.LBB2_1:
0x15: {  	[tilespmem:s2], [sflag:$0x1] =	stream.linear.gather [hbm4b:s4+s2], $0x2C00, $0x38;
	[tilespmem:$0xC400] =	vst v63  }
0x16: {  	s19 =	simm.s32 $0x40;
	s20 =	simm.s32 $0x0  }
.LBB2_2:
0x17: {  	p0 =	sne.s32 s19, $0x9FC0;
	[tilespmem:s20+$0x2C00] =	vst v1;
	s20 =	smov.u32 s19;
	s19 =	sadd.s32 $0x40, s19  }
.Ltmp0:
0x18: {  	(pc) =	sbr.rel @p0 .LBB2_2-.Ltmp0, $2  }
0x19: {  	_ =	sdelay $0x2  }
0x1a: {  	s20 =	sshra.s32 s20, $0x2  }
0x1b: {  	[tilespmem:s20+$0x2C00] =	vst v1  }
0x1c: {  	_ =	swait.ge [sflag:s10], $0x2C00  }
0x1d: {  	[sflag:s10] =	ssyncset.done $0x0  }
0x1e: {  	s19 =	smov.u32 s7;
	s20 =	smov.u32 s3;
	[sflag:s10] =	ssyncadd.s32 $0xFFFFD400  }
.LBB2_4:
0x1f: {  	v10 =	vld [tilespmem:s19+$0xFFFFFFC0];
	_ =	sdelay $0x7  }
0x20: {  	[tilespmem:v10+s11+$0x0] =	vst.idx.add.f32.msk $0xffff, v2  }
0x21: {  	v10 =	vld [tilespmem:s19+$0xFFFFFFD0];
	_ =	sdelay $0x7  }
0x22: {  	[tilespmem:v10+s11+$0x0] =	vst.idx.add.f32.msk $0xffff, v2  }
0x23: {  	v10 =	vld [tilespmem:s19+$0xFFFFFFE0];
	_ =	sdelay $0x7  }
0x24: {  	[tilespmem:v10+s11+$0x0] =	vst.idx.add.f32.msk $0xffff, v2  }
0x25: {  	v10 =	vld [tilespmem:s19+$0xFFFFFFF0];
	_ =	sdelay $0x7  }
0x26: {  	[tilespmem:v10+s11+$0x0] =	vst.idx.add.f32.msk $0xffff, v2  }
0x27: {  	v10 =	vld [tilespmem:s19+$0x0];
	_ =	sdelay $0x7  }
0x28: {  	[tilespmem:v10+s11+$0x0] =	vst.idx.add.f32.msk $0xffff, v2  }
0x29: {  	v10 =	vld [tilespmem:s19+$0x10];
	_ =	sdelay $0x7  }
0x2a: {  	[tilespmem:v10+s11+$0x0] =	vst.idx.add.f32.msk $0xffff, v2  }
0x2b: {  	v10 =	vld [tilespmem:s19+$0x20];
	_ =	sdelay $0x7  }
0x2c: {  	[tilespmem:v10+s11+$0x0] =	vst.idx.add.f32.msk $0xffff, v2  }
0x2d: {  	v10 =	vld [tilespmem:s19+$0x30];
	_ =	sdelay $0x2  }
0x2e: {  	p0 =	sne.s32 s20, $0x1  }
.Ltmp1:
0x2f: {  	_ = 	snop;
	(pc) =	sbr.rel @p0 .LBB2_4-.Ltmp1, $2  }
0x30: {  	_ =	sdelay $0x2  }
0x31: {  	s20 =	sadd.s32 $0xFFFFFFFF, s20;
	s19 =	sadd.s32 $0x80, s19;
	[tilespmem:v10+s11+$0x0] =	vst.idx.add.f32.msk $0xffff, v2  }
0x32: {  	[spmem:s5] =	stream.strided.scatter [tilespmem:s11], [sflag:$0x2], $0x2800, s13, s12, $0x38;
	[tilespmem:$0xC400] =	vst v63  }
0x33: {  	_ =	swait.ge [sflag:s14], $0x2800  }
0x34: {  	[sflag:s14] =	ssyncset.done $0x0  }
0x35: {  	[sflag:s14] =	ssyncadd.s32 $0xFFFFD800  }
0x36: {  	[bflag:$0x0] =	sbarrier.arrive $0xFFFF  }
0x37: {  	[tilespmem:s16], [sflag:$0x2] =	stream.strided.gather [spmem:s9], $0x800, s15, s13, $0x38;
	[tilespmem:$0xC400] =	vst v63  }
0x38: {  	_ =	swait.ge [sflag:s14], $0x800  }
0x39: {  	[sflag:s14] =	ssyncset.done $0x0  }
0x3a: {  	[sflag:s14] =	ssyncadd.s32 $0xFFFFF800  }
0x3b: {  	v10 =	vld [tilespmem:$0x5400]  }
0x3c: {  	v11 =	vld [tilespmem:$0x5480];
	_ =	sdelay $0x1  }
0x3d: {  	v12 =	vld [tilespmem:$0x5500];
	_ =	sdelay $0x1  }
0x3e: {  	v13 =	vld [tilespmem:$0x5580]  }
0x3f: {  	v10 =	vadd.f32 v11, v10  }
0x40: {  	v11 =	vld [tilespmem:$0x5600]  }
0x41: {  	v10 =	vadd.f32 v12, v10  }
0x42: {  	v12 =	vld [tilespmem:$0x5680]  }
0x43: {  	v10 =	vadd.f32 v13, v10  }
0x44: {  	v13 =	vld [tilespmem:$0x5700]  }
0x45: {  	v10 =	vadd.f32 v11, v10  }
0x46: {  	v11 =	vld [tilespmem:$0x5780]  }
0x47: {  	v10 =	vadd.f32 v12, v10  }
0x48: {  	v12 =	vld [tilespmem:$0x5800]  }
0x49: {  	v10 =	vadd.f32 v13, v10  }
0x4a: {  	v13 =	vld [tilespmem:$0x5880]  }
0x4b: {  	v10 =	vadd.f32 v11, v10  }
0x4c: {  	v11 =	vld [tilespmem:$0x5900]  }
0x4d: {  	v10 =	vadd.f32 v12, v10  }
0x4e: {  	v12 =	vld [tilespmem:$0x5980]  }
0x4f: {  	v10 =	vadd.f32 v13, v10  }
0x50: {  	v13 =	vld [tilespmem:$0x5A00]  }
0x51: {  	v10 =	vadd.f32 v11, v10  }
0x52: {  	v11 =	vld [tilespmem:$0x5A80]  }
0x53: {  	v10 =	vadd.f32 v12, v10  }
0x54: {  	v12 =	vld [tilespmem:$0x5B00]  }
0x55: {  	v10 =	vadd.f32 v13, v10  }
0x56: {  	v13 =	vld [tilespmem:$0x5B80]  }
0x57: {  	v10 =	vadd.f32 v11, v10;
	_ =	sdelay $0x1  }
0x58: {  	v10 =	vadd.f32 v12, v10;
	_ =	sdelay $0x1  }
0x59: {  	v10 =	vadd.f32 v13, v10;
	_ =	sdelay $0x1  }
0x5a: {  	[tilespmem:v0+s17+$0x0] =	vst.idx.msk $0xffff, v10  }
0x5b: {  	v10 =	vld [tilespmem:$0x5410]  }
0x5c: {  	v11 =	vld [tilespmem:$0x5490];
	_ =	sdelay $0x1  }
0x5d: {  	v12 =	vld [tilespmem:$0x5510];
	_ =	sdelay $0x1  }
0x5e: {  	v13 =	vld [tilespmem:$0x5590]  }
0x5f: {  	v10 =	vadd.f32 v11, v10  }
0x60: {  	v11 =	vld [tilespmem:$0x5610]  }
0x61: {  	v10 =	vadd.f32 v12, v10  }
0x62: {  	v12 =	vld [tilespmem:$0x5690]  }
0x63: {  	v10 =	vadd.f32 v13, v10  }
0x64: {  	v13 =	vld [tilespmem:$0x5710]  }
0x65: {  	v10 =	vadd.f32 v11, v10  }
0x66: {  	v11 =	vld [tilespmem:$0x5790]  }
0x67: {  	v10 =	vadd.f32 v12, v10  }
0x68: {  	v12 =	vld [tilespmem:$0x5810]  }
0x69: {  	v10 =	vadd.f32 v13, v10  }
0x6a: {  	v13 =	vld [tilespmem:$0x5890]  }
0x6b: {  	v10 =	vadd.f32 v11, v10  }
0x6c: {  	v11 =	vld [tilespmem:$0x5910]  }
0x6d: {  	v10 =	vadd.f32 v12, v10  }
0x6e: {  	v12 =	vld [tilespmem:$0x5990]  }
0x6f: {  	v10 =	vadd.f32 v13, v10  }
0x70: {  	v13 =	vld [tilespmem:$0x5A10]  }
0x71: {  	v10 =	vadd.f32 v11, v10  }
0x72: {  	v11 =	vld [tilespmem:$0x5A90]  }
0x73: {  	v10 =	vadd.f32 v12, v10  }
0x74: {  	v12 =	vld [tilespmem:$0x5B10]  }
0x75: {  	v10 =	vadd.f32 v13, v10  }
0x76: {  	v13 =	vld [tilespmem:$0x5B90]  }
0x77: {  	v10 =	vadd.f32 v11, v10;
	_ =	sdelay $0x1  }
0x78: {  	v10 =	vadd.f32 v12, v10;
	_ =	sdelay $0x1  }
0x79: {  	v10 =	vadd.f32 v13, v10;
	_ =	sdelay $0x1  }
0x7a: {  	[tilespmem:v3+s17+$0x0] =	vst.idx.msk $0xffff, v10  }
0x7b: {  	v10 =	vld [tilespmem:$0x5420]  }
0x7c: {  	v11 =	vld [tilespmem:$0x54A0];
	_ =	sdelay $0x1  }
0x7d: {  	v12 =	vld [tilespmem:$0x5520];
	_ =	sdelay $0x1  }
0x7e: {  	v13 =	vld [tilespmem:$0x55A0]  }
0x7f: {  	v10 =	vadd.f32 v11, v10  }
0x80: {  	v11 =	vld [tilespmem:$0x5620]  }
0x81: {  	v10 =	vadd.f32 v12, v10  }
0x82: {  	v12 =	vld [tilespmem:$0x56A0]  }
0x83: {  	v10 =	vadd.f32 v13, v10  }
0x84: {  	v13 =	vld [tilespmem:$0x5720]  }
0x85: {  	v10 =	vadd.f32 v11, v10  }
0x86: {  	v11 =	vld [tilespmem:$0x57A0]  }
0x87: {  	v10 =	vadd.f32 v12, v10  }
0x88: {  	v12 =	vld [tilespmem:$0x5820]  }
0x89: {  	v10 =	vadd.f32 v13, v10  }
0x8a: {  	v13 =	vld [tilespmem:$0x58A0]  }
0x8b: {  	v10 =	vadd.f32 v11, v10  }
0x8c: {  	v11 =	vld [tilespmem:$0x5920]  }
0x8d: {  	v10 =	vadd.f32 v12, v10  }
0x8e: {  	v12 =	vld [tilespmem:$0x59A0]  }
0x8f: {  	v10 =	vadd.f32 v13, v10  }
0x90: {  	v13 =	vld [tilespmem:$0x5A20]  }
0x91: {  	v10 =	vadd.f32 v11, v10  }
0x92: {  	v11 =	vld [tilespmem:$0x5AA0]  }
0x93: {  	v10 =	vadd.f32 v12, v10  }
0x94: {  	v12 =	vld [tilespmem:$0x5B20]  }
0x95: {  	v10 =	vadd.f32 v13, v10  }
0x96: {  	v13 =	vld [tilespmem:$0x5BA0]  }
0x97: {  	v10 =	vadd.f32 v11, v10;
	_ =	sdelay $0x1  }
0x98: {  	v10 =	vadd.f32 v12, v10;
	_ =	sdelay $0x1  }
0x99: {  	v10 =	vadd.f32 v13, v10;
	_ =	sdelay $0x1  }
0x9a: {  	[tilespmem:v4+s17+$0x0] =	vst.idx.msk $0xffff, v10  }
0x9b: {  	v10 =	vld [tilespmem:$0x5430]  }
0x9c: {  	v11 =	vld [tilespmem:$0x54B0];
	_ =	sdelay $0x1  }
0x9d: {  	v12 =	vld [tilespmem:$0x5530];
	_ =	sdelay $0x1  }
0x9e: {  	v13 =	vld [tilespmem:$0x55B0]  }
0x9f: {  	v10 =	vadd.f32 v11, v10  }
0xa0: {  	v11 =	vld [tilespmem:$0x5630]  }
0xa1: {  	v10 =	vadd.f32 v12, v10  }
0xa2: {  	v12 =	vld [tilespmem:$0x56B0]  }
0xa3: {  	v10 =	vadd.f32 v13, v10  }
0xa4: {  	v13 =	vld [tilespmem:$0x5730]  }
0xa5: {  	v10 =	vadd.f32 v11, v10  }
0xa6: {  	v11 =	vld [tilespmem:$0x57B0]  }
0xa7: {  	v10 =	vadd.f32 v12, v10  }
0xa8: {  	v12 =	vld [tilespmem:$0x5830]  }
0xa9: {  	v10 =	vadd.f32 v13, v10  }
0xaa: {  	v13 =	vld [tilespmem:$0x58B0]  }
0xab: {  	v10 =	vadd.f32 v11, v10  }
0xac: {  	v11 =	vld [tilespmem:$0x5930]  }
0xad: {  	v10 =	vadd.f32 v12, v10  }
0xae: {  	v12 =	vld [tilespmem:$0x59B0]  }
0xaf: {  	v10 =	vadd.f32 v13, v10  }
0xb0: {  	v13 =	vld [tilespmem:$0x5A30]  }
0xb1: {  	v10 =	vadd.f32 v11, v10  }
0xb2: {  	v11 =	vld [tilespmem:$0x5AB0]  }
0xb3: {  	v10 =	vadd.f32 v12, v10  }
0xb4: {  	v12 =	vld [tilespmem:$0x5B30]  }
0xb5: {  	v10 =	vadd.f32 v13, v10  }
0xb6: {  	v13 =	vld [tilespmem:$0x5BB0]  }
0xb7: {  	v10 =	vadd.f32 v11, v10;
	_ =	sdelay $0x1  }
0xb8: {  	v10 =	vadd.f32 v12, v10;
	_ =	sdelay $0x1  }
0xb9: {  	v10 =	vadd.f32 v13, v10;
	_ =	sdelay $0x1  }
0xba: {  	[tilespmem:v5+s17+$0x0] =	vst.idx.msk $0xffff, v10  }
0xbb: {  	v10 =	vld [tilespmem:$0x5440]  }
0xbc: {  	v11 =	vld [tilespmem:$0x54C0];
	_ =	sdelay $0x1  }
0xbd: {  	v12 =	vld [tilespmem:$0x5540];
	_ =	sdelay $0x1  }
0xbe: {  	v13 =	vld [tilespmem:$0x55C0]  }
0xbf: {  	v10 =	vadd.f32 v11, v10  }
0xc0: {  	v11 =	vld [tilespmem:$0x5640]  }
0xc1: {  	v10 =	vadd.f32 v12, v10  }
0xc2: {  	v12 =	vld [tilespmem:$0x56C0]  }
0xc3: {  	v10 =	vadd.f32 v13, v10  }
0xc4: {  	v13 =	vld [tilespmem:$0x5740]  }
0xc5: {  	v10 =	vadd.f32 v11, v10  }
0xc6: {  	v11 =	vld [tilespmem:$0x57C0]  }
0xc7: {  	v10 =	vadd.f32 v12, v10  }
0xc8: {  	v12 =	vld [tilespmem:$0x5840]  }
0xc9: {  	v10 =	vadd.f32 v13, v10  }
0xca: {  	v13 =	vld [tilespmem:$0x58C0]  }
0xcb: {  	v10 =	vadd.f32 v11, v10  }
0xcc: {  	v11 =	vld [tilespmem:$0x5940]  }
0xcd: {  	v10 =	vadd.f32 v12, v10  }
0xce: {  	v12 =	vld [tilespmem:$0x59C0]  }
0xcf: {  	v10 =	vadd.f32 v13, v10  }
0xd0: {  	v13 =	vld [tilespmem:$0x5A40]  }
0xd1: {  	v10 =	vadd.f32 v11, v10  }
0xd2: {  	v11 =	vld [tilespmem:$0x5AC0]  }
0xd3: {  	v10 =	vadd.f32 v12, v10  }
0xd4: {  	v12 =	vld [tilespmem:$0x5B40]  }
0xd5: {  	v10 =	vadd.f32 v13, v10  }
0xd6: {  	v13 =	vld [tilespmem:$0x5BC0]  }
0xd7: {  	v10 =	vadd.f32 v11, v10;
	_ =	sdelay $0x1  }
0xd8: {  	v10 =	vadd.f32 v12, v10;
	_ =	sdelay $0x1  }
0xd9: {  	v10 =	vadd.f32 v13, v10;
	_ =	sdelay $0x1  }
0xda: {  	[tilespmem:v6+s17+$0x0] =	vst.idx.msk $0xffff, v10  }
0xdb: {  	v10 =	vld [tilespmem:$0x5450]  }
0xdc: {  	v11 =	vld [tilespmem:$0x54D0];
	_ =	sdelay $0x1  }
0xdd: {  	v12 =	vld [tilespmem:$0x5550];
	_ =	sdelay $0x1  }
0xde: {  	v13 =	vld [tilespmem:$0x55D0]  }
0xdf: {  	v10 =	vadd.f32 v11, v10  }
0xe0: {  	v11 =	vld [tilespmem:$0x5650]  }
0xe1: {  	v10 =	vadd.f32 v12, v10  }
0xe2: {  	v12 =	vld [tilespmem:$0x56D0]  }
0xe3: {  	v10 =	vadd.f32 v13, v10  }
0xe4: {  	v13 =	vld [tilespmem:$0x5750]  }
0xe5: {  	v10 =	vadd.f32 v11, v10  }
0xe6: {  	v11 =	vld [tilespmem:$0x57D0]  }
0xe7: {  	v10 =	vadd.f32 v12, v10  }
0xe8: {  	v12 =	vld [tilespmem:$0x5850]  }
0xe9: {  	v10 =	vadd.f32 v13, v10  }
0xea: {  	v13 =	vld [tilespmem:$0x58D0]  }
0xeb: {  	v10 =	vadd.f32 v11, v10  }
0xec: {  	v11 =	vld [tilespmem:$0x5950]  }
0xed: {  	v10 =	vadd.f32 v12, v10  }
0xee: {  	v12 =	vld [tilespmem:$0x59D0]  }
0xef: {  	v10 =	vadd.f32 v13, v10  }
0xf0: {  	v13 =	vld [tilespmem:$0x5A50]  }
0xf1: {  	v10 =	vadd.f32 v11, v10  }
0xf2: {  	v11 =	vld [tilespmem:$0x5AD0]  }
0xf3: {  	v10 =	vadd.f32 v12, v10  }
0xf4: {  	v12 =	vld [tilespmem:$0x5B50]  }
0xf5: {  	v10 =	vadd.f32 v13, v10  }
0xf6: {  	v13 =	vld [tilespmem:$0x5BD0]  }
0xf7: {  	v10 =	vadd.f32 v11, v10;
	_ =	sdelay $0x1  }
0xf8: {  	v10 =	vadd.f32 v12, v10;
	_ =	sdelay $0x1  }
0xf9: {  	v10 =	vadd.f32 v13, v10;
	_ =	sdelay $0x1  }
0xfa: {  	[tilespmem:v7+s17+$0x0] =	vst.idx.msk $0xffff, v10  }
0xfb: {  	v10 =	vld [tilespmem:$0x5460]  }
0xfc: {  	v11 =	vld [tilespmem:$0x54E0];
	_ =	sdelay $0x1  }
0xfd: {  	v12 =	vld [tilespmem:$0x5560];
	_ =	sdelay $0x1  }
0xfe: {  	v13 =	vld [tilespmem:$0x55E0]  }
0xff: {  	v10 =	vadd.f32 v11, v10  }
0x100: {  	v11 =	vld [tilespmem:$0x5660]  }
0x101: {  	v10 =	vadd.f32 v12, v10  }
0x102: {  	v12 =	vld [tilespmem:$0x56E0]  }
0x103: {  	v10 =	vadd.f32 v13, v10  }
0x104: {  	v13 =	vld [tilespmem:$0x5760]  }
0x105: {  	v10 =	vadd.f32 v11, v10  }
0x106: {  	v11 =	vld [tilespmem:$0x57E0]  }
0x107: {  	v10 =	vadd.f32 v12, v10  }
0x108: {  	v12 =	vld [tilespmem:$0x5860]  }
0x109: {  	v10 =	vadd.f32 v13, v10  }
0x10a: {  	v13 =	vld [tilespmem:$0x58E0]  }
0x10b: {  	v10 =	vadd.f32 v11, v10  }
0x10c: {  	v11 =	vld [tilespmem:$0x5960]  }
0x10d: {  	v10 =	vadd.f32 v12, v10  }
0x10e: {  	v12 =	vld [tilespmem:$0x59E0]  }
0x10f: {  	v10 =	vadd.f32 v13, v10  }
0x110: {  	v13 =	vld [tilespmem:$0x5A60]  }
0x111: {  	v10 =	vadd.f32 v11, v10  }
0x112: {  	v11 =	vld [tilespmem:$0x5AE0]  }
0x113: {  	v10 =	vadd.f32 v12, v10  }
0x114: {  	v12 =	vld [tilespmem:$0x5B60]  }
0x115: {  	v10 =	vadd.f32 v13, v10  }
0x116: {  	v13 =	vld [tilespmem:$0x5BE0]  }
0x117: {  	v10 =	vadd.f32 v11, v10;
	_ =	sdelay $0x1  }
0x118: {  	v10 =	vadd.f32 v12, v10;
	_ =	sdelay $0x1  }
0x119: {  	v10 =	vadd.f32 v13, v10;
	_ =	sdelay $0x1  }
0x11a: {  	[tilespmem:v8+s17+$0x0] =	vst.idx.msk $0xffff, v10  }
0x11b: {  	v10 =	vld [tilespmem:$0x5470]  }
0x11c: {  	v11 =	vld [tilespmem:$0x54F0];
	_ =	sdelay $0x1  }
0x11d: {  	v12 =	vld [tilespmem:$0x5570];
	_ =	sdelay $0x1  }
0x11e: {  	v13 =	vld [tilespmem:$0x55F0]  }
0x11f: {  	v10 =	vadd.f32 v11, v10  }
0x120: {  	v11 =	vld [tilespmem:$0x5670]  }
0x121: {  	v10 =	vadd.f32 v12, v10  }
0x122: {  	v12 =	vld [tilespmem:$0x56F0]  }
0x123: {  	v10 =	vadd.f32 v13, v10  }
0x124: {  	v13 =	vld [tilespmem:$0x5770]  }
0x125: {  	v10 =	vadd.f32 v11, v10  }
0x126: {  	v11 =	vld [tilespmem:$0x57F0]  }
0x127: {  	v10 =	vadd.f32 v12, v10  }
0x128: {  	v12 =	vld [tilespmem:$0x5870]  }
0x129: {  	v10 =	vadd.f32 v13, v10  }
0x12a: {  	v13 =	vld [tilespmem:$0x58F0]  }
0x12b: {  	v10 =	vadd.f32 v11, v10  }
0x12c: {  	v11 =	vld [tilespmem:$0x5970]  }
0x12d: {  	v10 =	vadd.f32 v12, v10  }
0x12e: {  	v12 =	vld [tilespmem:$0x59F0]  }
0x12f: {  	v10 =	vadd.f32 v13, v10  }
0x130: {  	v13 =	vld [tilespmem:$0x5A70]  }
0x131: {  	v10 =	vadd.f32 v11, v10  }
0x132: {  	v14 =	vld [tilespmem:$0x5AF0]  }
0x133: {  	v10 =	vadd.f32 v12, v10;
	_ =	sdelay $0x1  }
0x134: {  	v12 =	vadd.f32 v13, v10;
	v10 =	vld [tilespmem:$0x5B70];
	_ =	sdelay $0x1  }
0x135: {  	s19 =	simm.s32 $0x0;
	s20 =	simm.s32 $0x800;
	s21 =	smov.u32 s9;
	v11 =	vld [tilespmem:$0x5BF0];
	v12 =	vadd.f32 v14, v12  }
.LBB2_6:
0x136: {  	p0 =	sne.s32 s20, $0x2000  }
0x137: {  	s21 =	sadd.s32 $0x400, s21;
	s22 =	smov.u32 s20;
	s20 =	sadd.s32 $0x800, s20  }
0x138: {  	v10 =	vadd.f32 v10, v12;
	_ =	sdelay $0x1  }
0x139: {  	v10 =	vadd.f32 v11, v10  }
0x13a: {  	s23 =	sadd.s32 s19, s8;
	s19 =	smov.u32 s22  }
0x13b: {  	[tilespmem:v9+s17+$0x0] =	vst.idx.msk $0xffff, v10  }
0x13c: {  	[hbm4b:s23+s2] =	stream.linear.scatter [tilespmem:s17], [sflag:$0x2], $0x4000, $0x38;
	[tilespmem:$0xC400] =	vst v63  }
0x13d: {  	_ =	swait.ge [sflag:s14], $0x4000  }
0x13e: {  	[sflag:s14] =	ssyncset.done $0x0  }
0x13f: {  	[sflag:s14] =	ssyncadd.s32 $0xFFFFC000  }
0x140: {  	[tilespmem:s16], [sflag:$0x2] =	stream.strided.gather [spmem:s21], $0x800, s15, s13, $0x38;
	[tilespmem:$0xC400] =	vst v63  }
0x141: {  	_ =	swait.ge [sflag:s14], $0x800  }
0x142: {  	[sflag:s14] =	ssyncset.done $0x0  }
0x143: {  	[sflag:s14] =	ssyncadd.s32 $0xFFFFF800  }
0x144: {  	v10 =	vld [tilespmem:$0x5400]  }
0x145: {  	v11 =	vld [tilespmem:$0x5480]  }
0x146: {  	v12 =	vld [tilespmem:$0x5580]  }
0x147: {  	v13 =	vld [tilespmem:$0x5500];
	_ =	sdelay $0x2  }
0x148: {  	v10 =	vadd.f32 v11, v10  }
0x149: {  	v11 =	vld [tilespmem:$0x5600]  }
0x14a: {  	v10 =	vadd.f32 v13, v10  }
0x14b: {  	v13 =	vld [tilespmem:$0x5680]  }
0x14c: {  	v10 =	vadd.f32 v12, v10  }
0x14d: {  	v12 =	vld [tilespmem:$0x5700]  }
0x14e: {  	v10 =	vadd.f32 v11, v10  }
0x14f: {  	v11 =	vld [tilespmem:$0x5780]  }
0x150: {  	v10 =	vadd.f32 v13, v10  }
0x151: {  	v13 =	vld [tilespmem:$0x5800]  }
0x152: {  	v10 =	vadd.f32 v12, v10  }
0x153: {  	v12 =	vld [tilespmem:$0x5880]  }
0x154: {  	v10 =	vadd.f32 v11, v10  }
0x155: {  	v11 =	vld [tilespmem:$0x5900]  }
0x156: {  	v10 =	vadd.f32 v13, v10  }
0x157: {  	v13 =	vld [tilespmem:$0x5980]  }
0x158: {  	v10 =	vadd.f32 v12, v10  }
0x159: {  	v12 =	vld [tilespmem:$0x5A00]  }
0x15a: {  	v10 =	vadd.f32 v11, v10  }
0x15b: {  	v11 =	vld [tilespmem:$0x5A80]  }
0x15c: {  	v10 =	vadd.f32 v13, v10  }
0x15d: {  	v13 =	vld [tilespmem:$0x5B00]  }
0x15e: {  	v10 =	vadd.f32 v12, v10  }
0x15f: {  	v12 =	vld [tilespmem:$0x5B80]  }
0x160: {  	v10 =	vadd.f32 v11, v10;
	_ =	sdelay $0x1  }
0x161: {  	v10 =	vadd.f32 v13, v10;
	_ =	sdelay $0x1  }
0x162: {  	v10 =	vadd.f32 v12, v10;
	_ =	sdelay $0x1  }
0x163: {  	[tilespmem:v0+s17+$0x0] =	vst.idx.msk $0xffff, v10  }
0x164: {  	v10 =	vld [tilespmem:$0x5410]  }
0x165: {  	v11 =	vld [tilespmem:$0x5490];
	_ =	sdelay $0x1  }
0x166: {  	v12 =	vld [tilespmem:$0x5510];
	_ =	sdelay $0x1  }
0x167: {  	v13 =	vld [tilespmem:$0x5590]  }
0x168: {  	v10 =	vadd.f32 v11, v10  }
0x169: {  	v11 =	vld [tilespmem:$0x5610]  }
0x16a: {  	v10 =	vadd.f32 v12, v10  }
0x16b: {  	v12 =	vld [tilespmem:$0x5690]  }
0x16c: {  	v10 =	vadd.f32 v13, v10  }
0x16d: {  	v13 =	vld [tilespmem:$0x5710]  }
0x16e: {  	v10 =	vadd.f32 v11, v10  }
0x16f: {  	v11 =	vld [tilespmem:$0x5790]  }
0x170: {  	v10 =	vadd.f32 v12, v10  }
0x171: {  	v12 =	vld [tilespmem:$0x5810]  }
0x172: {  	v10 =	vadd.f32 v13, v10  }
0x173: {  	v13 =	vld [tilespmem:$0x5890]  }
0x174: {  	v10 =	vadd.f32 v11, v10  }
0x175: {  	v11 =	vld [tilespmem:$0x5910]  }
0x176: {  	v10 =	vadd.f32 v12, v10  }
0x177: {  	v12 =	vld [tilespmem:$0x5990]  }
0x178: {  	v10 =	vadd.f32 v13, v10  }
0x179: {  	v13 =	vld [tilespmem:$0x5A10]  }
0x17a: {  	v10 =	vadd.f32 v11, v10  }
0x17b: {  	v11 =	vld [tilespmem:$0x5A90]  }
0x17c: {  	v10 =	vadd.f32 v12, v10  }
0x17d: {  	v12 =	vld [tilespmem:$0x5B10]  }
0x17e: {  	v10 =	vadd.f32 v13, v10  }
0x17f: {  	v13 =	vld [tilespmem:$0x5B90]  }
0x180: {  	v10 =	vadd.f32 v11, v10;
	_ =	sdelay $0x1  }
0x181: {  	v10 =	vadd.f32 v12, v10;
	_ =	sdelay $0x1  }
0x182: {  	v10 =	vadd.f32 v13, v10;
	_ =	sdelay $0x1  }
0x183: {  	[tilespmem:v3+s17+$0x0] =	vst.idx.msk $0xffff, v10  }
0x184: {  	v10 =	vld [tilespmem:$0x5420]  }
0x185: {  	v11 =	vld [tilespmem:$0x54A0];
	_ =	sdelay $0x1  }
0x186: {  	v12 =	vld [tilespmem:$0x5520];
	_ =	sdelay $0x1  }
0x187: {  	v13 =	vld [tilespmem:$0x55A0]  }
0x188: {  	v10 =	vadd.f32 v11, v10  }
0x189: {  	v11 =	vld [tilespmem:$0x5620]  }
0x18a: {  	v10 =	vadd.f32 v12, v10  }
0x18b: {  	v12 =	vld [tilespmem:$0x56A0]  }
0x18c: {  	v10 =	vadd.f32 v13, v10  }
0x18d: {  	v13 =	vld [tilespmem:$0x5720]  }
0x18e: {  	v10 =	vadd.f32 v11, v10  }
0x18f: {  	v11 =	vld [tilespmem:$0x57A0]  }
0x190: {  	v10 =	vadd.f32 v12, v10  }
0x191: {  	v12 =	vld [tilespmem:$0x5820]  }
0x192: {  	v10 =	vadd.f32 v13, v10  }
0x193: {  	v13 =	vld [tilespmem:$0x58A0]  }
0x194: {  	v10 =	vadd.f32 v11, v10  }
0x195: {  	v11 =	vld [tilespmem:$0x5920]  }
0x196: {  	v10 =	vadd.f32 v12, v10  }
0x197: {  	v12 =	vld [tilespmem:$0x59A0]  }
0x198: {  	v10 =	vadd.f32 v13, v10  }
0x199: {  	v13 =	vld [tilespmem:$0x5A20]  }
0x19a: {  	v10 =	vadd.f32 v11, v10  }
0x19b: {  	v11 =	vld [tilespmem:$0x5AA0]  }
0x19c: {  	v10 =	vadd.f32 v12, v10  }
0x19d: {  	v12 =	vld [tilespmem:$0x5B20]  }
0x19e: {  	v10 =	vadd.f32 v13, v10  }
0x19f: {  	v13 =	vld [tilespmem:$0x5BA0]  }
0x1a0: {  	v10 =	vadd.f32 v11, v10;
	_ =	sdelay $0x1  }
0x1a1: {  	v10 =	vadd.f32 v12, v10;
	_ =	sdelay $0x1  }
0x1a2: {  	v10 =	vadd.f32 v13, v10;
	_ =	sdelay $0x1  }
0x1a3: {  	[tilespmem:v4+s17+$0x0] =	vst.idx.msk $0xffff, v10  }
0x1a4: {  	v10 =	vld [tilespmem:$0x5430]  }
0x1a5: {  	v11 =	vld [tilespmem:$0x54B0];
	_ =	sdelay $0x1  }
0x1a6: {  	v12 =	vld [tilespmem:$0x5530];
	_ =	sdelay $0x1  }
0x1a7: {  	v13 =	vld [tilespmem:$0x55B0]  }
0x1a8: {  	v10 =	vadd.f32 v11, v10  }
0x1a9: {  	v11 =	vld [tilespmem:$0x5630]  }
0x1aa: {  	v10 =	vadd.f32 v12, v10  }
0x1ab: {  	v12 =	vld [tilespmem:$0x56B0]  }
0x1ac: {  	v10 =	vadd.f32 v13, v10  }
0x1ad: {  	v13 =	vld [tilespmem:$0x5730]  }
0x1ae: {  	v10 =	vadd.f32 v11, v10  }
0x1af: {  	v11 =	vld [tilespmem:$0x57B0]  }
0x1b0: {  	v10 =	vadd.f32 v12, v10  }
0x1b1: {  	v12 =	vld [tilespmem:$0x5830]  }
0x1b2: {  	v10 =	vadd.f32 v13, v10  }
0x1b3: {  	v13 =	vld [tilespmem:$0x58B0]  }
0x1b4: {  	v10 =	vadd.f32 v11, v10  }
0x1b5: {  	v11 =	vld [tilespmem:$0x5930]  }
0x1b6: {  	v10 =	vadd.f32 v12, v10  }
0x1b7: {  	v12 =	vld [tilespmem:$0x59B0]  }
0x1b8: {  	v10 =	vadd.f32 v13, v10  }
0x1b9: {  	v13 =	vld [tilespmem:$0x5A30]  }
0x1ba: {  	v10 =	vadd.f32 v11, v10  }
0x1bb: {  	v11 =	vld [tilespmem:$0x5AB0]  }
0x1bc: {  	v10 =	vadd.f32 v12, v10  }
0x1bd: {  	v12 =	vld [tilespmem:$0x5B30]  }
0x1be: {  	v10 =	vadd.f32 v13, v10  }
0x1bf: {  	v13 =	vld [tilespmem:$0x5BB0]  }
0x1c0: {  	v10 =	vadd.f32 v11, v10;
	_ =	sdelay $0x1  }
0x1c1: {  	v10 =	vadd.f32 v12, v10;
	_ =	sdelay $0x1  }
0x1c2: {  	v10 =	vadd.f32 v13, v10;
	_ =	sdelay $0x1  }
0x1c3: {  	[tilespmem:v5+s17+$0x0] =	vst.idx.msk $0xffff, v10  }
0x1c4: {  	v10 =	vld [tilespmem:$0x5440]  }
0x1c5: {  	v11 =	vld [tilespmem:$0x54C0];
	_ =	sdelay $0x1  }
0x1c6: {  	v12 =	vld [tilespmem:$0x5540];
	_ =	sdelay $0x1  }
0x1c7: {  	v13 =	vld [tilespmem:$0x55C0]  }
0x1c8: {  	v10 =	vadd.f32 v11, v10  }
0x1c9: {  	v11 =	vld [tilespmem:$0x5640]  }
0x1ca: {  	v10 =	vadd.f32 v12, v10  }
0x1cb: {  	v12 =	vld [tilespmem:$0x56C0]  }
0x1cc: {  	v10 =	vadd.f32 v13, v10  }
0x1cd: {  	v13 =	vld [tilespmem:$0x5740]  }
0x1ce: {  	v10 =	vadd.f32 v11, v10  }
0x1cf: {  	v11 =	vld [tilespmem:$0x57C0]  }
0x1d0: {  	v10 =	vadd.f32 v12, v10  }
0x1d1: {  	v12 =	vld [tilespmem:$0x5840]  }
0x1d2: {  	v10 =	vadd.f32 v13, v10  }
0x1d3: {  	v13 =	vld [tilespmem:$0x58C0]  }
0x1d4: {  	v10 =	vadd.f32 v11, v10  }
0x1d5: {  	v11 =	vld [tilespmem:$0x5940]  }
0x1d6: {  	v10 =	vadd.f32 v12, v10  }
0x1d7: {  	v12 =	vld [tilespmem:$0x59C0]  }
0x1d8: {  	v10 =	vadd.f32 v13, v10  }
0x1d9: {  	v13 =	vld [tilespmem:$0x5A40]  }
0x1da: {  	v10 =	vadd.f32 v11, v10  }
0x1db: {  	v11 =	vld [tilespmem:$0x5AC0]  }
0x1dc: {  	v10 =	vadd.f32 v12, v10  }
0x1dd: {  	v12 =	vld [tilespmem:$0x5B40]  }
0x1de: {  	v10 =	vadd.f32 v13, v10  }
0x1df: {  	v13 =	vld [tilespmem:$0x5BC0]  }
0x1e0: {  	v10 =	vadd.f32 v11, v10;
	_ =	sdelay $0x1  }
0x1e1: {  	v10 =	vadd.f32 v12, v10;
	_ =	sdelay $0x1  }
0x1e2: {  	v10 =	vadd.f32 v13, v10;
	_ =	sdelay $0x1  }
0x1e3: {  	[tilespmem:v6+s17+$0x0] =	vst.idx.msk $0xffff, v10  }
0x1e4: {  	v10 =	vld [tilespmem:$0x5450]  }
0x1e5: {  	v11 =	vld [tilespmem:$0x54D0]  }
0x1e6: {  	v12 =	vld [tilespmem:$0x5550]  }
0x1e7: {  	v13 =	vld [tilespmem:$0x55D0]  }
0x1e8: {  	v14 =	vld [tilespmem:$0x5650]  }
0x1e9: {  	v15 =	vld [tilespmem:$0x56D0]  }
0x1ea: {  	v10 =	vadd.f32 v11, v10;
	v11 =	vld [tilespmem:$0x5750]  }
0x1eb: {  	v16 =	vld [tilespmem:$0x57D0]  }
0x1ec: {  	v10 =	vadd.f32 v12, v10;
	v12 =	vld [tilespmem:$0x5850]  }
0x1ed: {  	v17 =	vld [tilespmem:$0x58D0]  }
0x1ee: {  	v10 =	vadd.f32 v13, v10;
	v13 =	vld [tilespmem:$0x5950]  }
0x1ef: {  	v18 =	vld [tilespmem:$0x59D0]  }
0x1f0: {  	v10 =	vadd.f32 v14, v10;
	v14 =	vld [tilespmem:$0x5A50]  }
0x1f1: {  	v19 =	vld [tilespmem:$0x5AD0]  }
0x1f2: {  	v10 =	vadd.f32 v15, v10;
	v15 =	vld [tilespmem:$0x5B50]  }
0x1f3: {  	v20 =	vld [tilespmem:$0x5BD0]  }
0x1f4: {  	v10 =	vadd.f32 v11, v10;
	_ =	sdelay $0x1  }
0x1f5: {  	v10 =	vadd.f32 v16, v10;
	_ =	sdelay $0x1  }
0x1f6: {  	v10 =	vadd.f32 v12, v10;
	_ =	sdelay $0x1  }
0x1f7: {  	v10 =	vadd.f32 v17, v10;
	_ =	sdelay $0x1  }
0x1f8: {  	v10 =	vadd.f32 v13, v10;
	_ =	sdelay $0x1  }
0x1f9: {  	v10 =	vadd.f32 v18, v10;
	_ =	sdelay $0x1  }
0x1fa: {  	v10 =	vadd.f32 v14, v10;
	_ =	sdelay $0x1  }
0x1fb: {  	v10 =	vadd.f32 v19, v10;
	_ =	sdelay $0x1  }
0x1fc: {  	v10 =	vadd.f32 v15, v10;
	_ =	sdelay $0x1  }
0x1fd: {  	v10 =	vadd.f32 v20, v10;
	_ =	sdelay $0x1  }
0x1fe: {  	[tilespmem:v7+s17+$0x0] =	vst.idx.msk $0xffff, v10  }
0x1ff: {  	v10 =	vld [tilespmem:$0x5460]  }
0x200: {  	v11 =	vld [tilespmem:$0x54E0]  }
0x201: {  	v12 =	vld [tilespmem:$0x5560]  }
0x202: {  	v13 =	vld [tilespmem:$0x55E0]  }
0x203: {  	v14 =	vld [tilespmem:$0x5660]  }
0x204: {  	v15 =	vld [tilespmem:$0x56E0]  }
0x205: {  	v10 =	vadd.f32 v11, v10;
	v11 =	vld [tilespmem:$0x5760]  }
0x206: {  	v16 =	vld [tilespmem:$0x57E0]  }
0x207: {  	v10 =	vadd.f32 v12, v10;
	v12 =	vld [tilespmem:$0x5860]  }
0x208: {  	v17 =	vld [tilespmem:$0x58E0]  }
0x209: {  	v10 =	vadd.f32 v13, v10;
	v13 =	vld [tilespmem:$0x5960]  }
0x20a: {  	v18 =	vld [tilespmem:$0x59E0]  }
0x20b: {  	v10 =	vadd.f32 v14, v10;
	v14 =	vld [tilespmem:$0x5A60]  }
0x20c: {  	v19 =	vld [tilespmem:$0x5AE0]  }
0x20d: {  	v10 =	vadd.f32 v15, v10;
	v15 =	vld [tilespmem:$0x5B60]  }
0x20e: {  	v20 =	vld [tilespmem:$0x5BE0]  }
0x20f: {  	v10 =	vadd.f32 v11, v10;
	_ =	sdelay $0x1  }
0x210: {  	v10 =	vadd.f32 v16, v10;
	_ =	sdelay $0x1  }
0x211: {  	v10 =	vadd.f32 v12, v10;
	_ =	sdelay $0x1  }
0x212: {  	v10 =	vadd.f32 v17, v10;
	_ =	sdelay $0x1  }
0x213: {  	v10 =	vadd.f32 v13, v10;
	_ =	sdelay $0x1  }
0x214: {  	v10 =	vadd.f32 v18, v10;
	_ =	sdelay $0x1  }
0x215: {  	v10 =	vadd.f32 v14, v10;
	_ =	sdelay $0x1  }
0x216: {  	v10 =	vadd.f32 v19, v10;
	_ =	sdelay $0x1  }
0x217: {  	v10 =	vadd.f32 v15, v10;
	_ =	sdelay $0x1  }
0x218: {  	v10 =	vadd.f32 v20, v10;
	_ =	sdelay $0x1  }
0x219: {  	[tilespmem:v8+s17+$0x0] =	vst.idx.msk $0xffff, v10  }
0x21a: {  	v10 =	vld [tilespmem:$0x5470]  }
0x21b: {  	v11 =	vld [tilespmem:$0x54F0]  }
0x21c: {  	v12 =	vld [tilespmem:$0x5570]  }
0x21d: {  	v13 =	vld [tilespmem:$0x55F0]  }
0x21e: {  	v14 =	vld [tilespmem:$0x5670]  }
0x21f: {  	v15 =	vld [tilespmem:$0x56F0]  }
0x220: {  	v10 =	vadd.f32 v11, v10;
	v16 =	vld [tilespmem:$0x5770]  }
0x221: {  	v17 =	vld [tilespmem:$0x57F0]  }
0x222: {  	v10 =	vadd.f32 v12, v10;
	v12 =	vld [tilespmem:$0x5870]  }
0x223: {  	v18 =	vld [tilespmem:$0x58F0]  }
0x224: {  	v10 =	vadd.f32 v13, v10;
	v13 =	vld [tilespmem:$0x5970]  }
0x225: {  	v19 =	vld [tilespmem:$0x59F0]  }
0x226: {  	v10 =	vadd.f32 v14, v10;
	v14 =	vld [tilespmem:$0x5A70]  }
0x227: {  	v20 =	vld [tilespmem:$0x5AF0]  }
0x228: {  	v15 =	vadd.f32 v15, v10;
	v10 =	vld [tilespmem:$0x5B70]  }
0x229: {  	v11 =	vld [tilespmem:$0x5BF0]  }
0x22a: {  	v15 =	vadd.f32 v16, v15;
	_ =	sdelay $0x1  }
0x22b: {  	v15 =	vadd.f32 v17, v15;
	_ =	sdelay $0x1  }
0x22c: {  	v12 =	vadd.f32 v12, v15;
	_ =	sdelay $0x1  }
0x22d: {  	v12 =	vadd.f32 v18, v12;
	_ =	sdelay $0x1  }
0x22e: {  	v12 =	vadd.f32 v13, v12;
	_ =	sdelay $0x1  }
.Ltmp2:
0x22f: {  	v12 =	vadd.f32 v19, v12;
	(pc) =	sbr.rel @p0 .LBB2_6-.Ltmp2, $3  }
0x230: {  	_ = 	snop  }
0x231: {  	v12 =	vadd.f32 v14, v12;
	_ =	sdelay $0x1  }
0x232: {  	v12 =	vadd.f32 v20, v12  }
0x233: {  	_ = 	snop  }
0x234: {  	v10 =	vadd.f32 v10, v12;
	_ =	sdelay $0x1  }
0x235: {  	s18 =	sadd.s32 $0x1, s18;
	v10 =	vadd.f32 v11, v10  }
0x236: {  	p0 =	sne.s32 s18, s6  }
.Ltmp3:
0x237: {  	s19 =	sadd.s32 s19, s8;
	[tilespmem:v9+s17+$0x0] =	vst.idx.msk $0xffff, v10;
	(pc) =	sbr.rel @p0 .LBB2_1-.Ltmp3, $4  }
0x238: {  	[hbm4b:s19+s2] =	stream.linear.scatter [tilespmem:s17], [sflag:$0x2], $0x4000, $0x38;
	[tilespmem:$0xC400] =	vst v63  }
0x239: {  	_ =	swait.ge [sflag:s14], $0x4000  }
0x23a: {  	[sflag:s14] =	ssyncset.done $0x0  }
0x23b: {  	[sflag:s14] =	ssyncadd.s32 $0xFFFFC000  }
0x23c: {  	_ =	sfence.sel $0x180000  }
0x23d: {  	[bflag:$0x0] =	sbarrier.arrive $0xFFFF  }
0x23e: {  	p0 =	sne.s32 s1, $0x0;
	_ =	strace $0x90000047  }
0x23f: {  	s0 =	sadd.s32 @!p0 $0x100000, s0;
	[bflag:$0x2] =	sbarrier.arrive $0xFFFF  }
0x240: {  	[sflag:s0] =	ssyncadd.tile.s32 @!p0 $0x1;
	_ =	shalt  }
.Lfunc_end2:
_tile_overlayer_lowered:
.L_overlay_start_2:
0x241: {  	(tag) =	ssettag $0x2  }
0x242: {  	s0 =	rddreg [dreg:$0x0];
	s2 =	stileid.u32  }
0x243: {  	s1 =	rddreg [dreg:$0x1];
	p0 =	sne.s32 s2, $0x0  }
0x244: {  	s3 =	rddreg [dreg:$0x2];
	[bflag:$0x3] =	sbarrier.arrive $0xFFFF;
	s2 =	simm.s32 @!p0 $0x1C02  }
0x245: {  	[timem:s3], [sflag:s2] =	dma.local @!p0 [hbm:s0], s1  }
0x246: {  	s0 =	simm.s32 @!p0 $0x2  }
0x247: {  	_ =	swait.ge @!p0 [sflag:s0], s1  }
0x248: {  	s1 =	ssub.s32 @!p0 $0x0, s1;
	[sflag:s0] =	ssyncset.done @!p0 $0x0  }
0x249: {  	[sflag:s0] =	ssyncadd.s32 @!p0 s1  }
0x24a: {  	[bflag:$0x3] =	sbarrier.arrive $0xFFFF  }
0x24b: {  	_ =	shalt  }

</sc_bundles>
